<compile_context>
chip_gen: v7x
topology: tpu7x:2x2x1
jax: 0.10.2.dev20260603
libtpu: 0.0.44.dev20260713+nightly
codegen_flags: <defaults>
</compile_context>

<pallas_src>
import functools

import jax
import jax.numpy as jnp
from jax import lax
from jax.experimental import pallas as pl
from jax.experimental.pallas import tpu as pltpu
from jax.experimental.pallas import tpu_sc as plsc

_N_QUANTILES = 1000
_NUM_TOKENS = 3
_N = 16384
_L = 200
_D = 64

_NC = 2
_NS = 16
_NW = _NC * _NS
_LANES = 16

_LT = _L // 8
_NT = _N // 128
_NTW = _NT // _NW
_BLK = _NTW * 8 * 128
_TROWS = 1024


def _embed_body(v5, i5, tabt_hbm, out5,
                vblk, iblk, outb, tab_v, lsem, osem0, osem1):
    cid = lax.axis_index("c")
    sid = lax.axis_index("s")
    wid = sid * _NC + cid
    coloff = wid * _NTW * 1024

    pltpu.sync_copy(tabt_hbm, tab_v)

    osem = (osem0, osem1)

    def fire_in(lt, boff):
        pltpu.async_copy(v5.at[lt, pl.ds(coloff, _BLK)],
                         vblk.at[pl.ds(boff, _BLK)], lsem)
        pltpu.async_copy(i5.at[lt, pl.ds(coloff, _BLK)],
                         iblk.at[pl.ds(boff, _BLK)], lsem)

    fire_in(0, 0)

    def lt_body(lt, carry):
        qoff = (lt % 2) * _BLK
        pltpu.make_async_copy(v5.at[lt, pl.ds(coloff, _BLK)],
                              vblk.at[pl.ds(qoff, _BLK)], lsem).wait()
        pltpu.make_async_copy(i5.at[lt, pl.ds(coloff, _BLK)],
                              iblk.at[pl.ds(qoff, _BLK)], lsem).wait()

        @pl.when(lt + 1 < _LT)
        def _():
            fire_in(lt + 1, _BLK - qoff)

        @plsc.parallel_loop(0, _BLK // _LANES, unroll=4)
        def _(m):
            v = vblk[pl.ds(qoff + m * _LANES, _LANES)]
            ind = iblk[pl.ds(qoff + m * _LANES, _LANES)]
            v = jnp.minimum(jnp.maximum(v, 0.0), 1.0)
            q = (v * float(_N_QUANTILES)).astype(jnp.int32) + _NUM_TOKENS
            lk = jnp.where(ind == 0, q, ind)
            lk = jnp.minimum(jnp.maximum(lk, 0),
                             _N_QUANTILES + _NUM_TOKENS - 1)
            iblk[pl.ds(qoff + m * _LANES, _LANES)] = lk

        def ls_body(ls, c3):
            l = lt * 8 + ls

            def dt3_body(dt3, c4):
                for e in range(2):
                    dt = 2 * dt3 + e
                    cnt = (lt * 8 + ls) * 8 + dt

                    @pl.when(cnt >= 2)
                    def _():
                        pltpu.make_async_copy(
                            outb.at[e],
                            out5.at[l, dt, pl.ds(wid * _NTW, _NTW)],
                            osem[e]).wait()

                    @plsc.parallel_loop(0, _NTW * 8, unroll=8)
                    def _(m):
                        nt4 = m // 8
                        g = m % 8
                        col = iblk[pl.ds(qoff + nt4 * 1024 + ls * 128
                                         + g * _LANES, _LANES)]
                        for ds in range(8):
                            x = plsc.load_gather(
                                tab_v, [col + (dt * 8 + ds) * _TROWS])
                            outb[e, nt4, ds, pl.ds(g * _LANES, _LANES)] = x
                    pltpu.async_copy(outb.at[e],
                                     out5.at[l, dt, pl.ds(wid * _NTW, _NTW)],
                                     osem[e])
                return c4

            lax.fori_loop(0, 4, dt3_body, 0)
            return c3

        lax.fori_loop(0, 8, ls_body, 0)
        return carry

    lax.fori_loop(0, _LT, lt_body, 0)

    for e in range(2):
        pltpu.make_async_copy(outb.at[e],
                              out5.at[_L - 1, 6 + e, pl.ds(wid * _NTW, _NTW)],
                              osem[e]).wait()


@jax.jit
def kernel(values, indicators, table):
    n, l = values.shape
    v5 = (values.reshape(_NT, 128, _LT, 8).transpose(2, 0, 3, 1)
          .reshape(_LT, _NT * 8 * 128))
    i5 = (indicators.reshape(_NT, 128, _LT, 8).transpose(2, 0, 3, 1)
          .reshape(_LT, _NT * 8 * 128))
    tabt = jnp.pad(table, ((0, _TROWS - table.shape[0]), (0, 0))).T.reshape(-1)

    run = functools.partial(
        pl.kernel,
        mesh=plsc.VectorSubcoreMesh(core_axis_name="c", subcore_axis_name="s"),
        compiler_params=pltpu.CompilerParams(use_tc_tiling_on_sc=False,
                                             needs_layout_passes=False),
        out_type=jax.ShapeDtypeStruct((_L, _D // 8, _NT, 8, 128),
                                      jnp.float32),
        scratch_types=[
            pltpu.VMEM((2 * _BLK,), jnp.float32),
            pltpu.VMEM((2 * _BLK,), jnp.int32),
            pltpu.VMEM((2, _NTW, 8, 128), jnp.float32),
            pltpu.VMEM((_D * _TROWS,), jnp.float32),
            pltpu.SemaphoreType.DMA,
            pltpu.SemaphoreType.DMA,
            pltpu.SemaphoreType.DMA,
        ],
    )(_embed_body)

    out5 = run(v5, i5, tabt)
    out = out5.transpose(2, 4, 0, 1, 3).reshape(n, l, _D)
    return out

# --- scband reference (transcript-rebuilt; emitter-appended) ---
"""Pipeline reference for scband-quantile-field-embedder-41583873360422 (READ-ONLY COPY).

The authoritative reference and input builder live on the scoring server;
editing this copy changes nothing except your own understanding.
"""

import jax, jax.numpy as jnp
import numpy as np

N, L = 16384, 200
N_QUANTILES = 1000
D_FIELD = 64
NUM_TOKENS = 3  # len(Tokens); Tokens.VAL == 0


def setup_inputs(seed: int = 0) -> dict:
    key = jax.random.key(seed)
    k1, k2 = jax.random.split(key)
    # values in [0, 1); positions with indicator != 0 must be 0 (all-VAL here)
    values = jax.random.uniform(k1, (N, L), dtype=jnp.float32, minval=0.0, maxval=1.0)
    values = jnp.minimum(values, 1.0 - 1e-6)
    indicators = jnp.zeros((N, L), dtype=jnp.int32)  # all Tokens.VAL
    table = jax.random.normal(k2, (N_QUANTILES + NUM_TOKENS, D_FIELD), dtype=jnp.float32)
    return {"values": values, "indicators": indicators, "table": table}


def reference(values, indicators, table):
    # eval mode: jitter = zeros
    jittered = jnp.clip(values, 0.0, 1.0)
    quantiles = jnp.floor(jittered * N_QUANTILES).astype(jnp.int32) + NUM_TOKENS
    # masked_scatter(indicators == Tokens.VAL, quantiles): replace VAL slots with quantile ids
    lookup = jnp.where(indicators == 0, quantiles, indicators)
    return jnp.take(table, lookup, axis=0)

if __name__ == "__main__":
    import jax
    _d = setup_inputs()
    print(jax.jit(kernel)(*tuple(_d.values())))

</pallas_src>

<mosaic_0001>
#map = affine_map<(d0, d1) -> (0, 0)>
#map1 = affine_map<(d0, d1) -> (0)>
#map2 = affine_map<(d0, d1) -> (0, 0, 0, 0, 0)>
module attributes {stable_mosaic.version = 14 : i64} {
  func.func @_embed_body(%arg0: i32, %arg1: i32, %arg2: memref<25x131072xf32, #tpu.memory_space<hbm>>, %arg3: memref<25x131072xi32, #tpu.memory_space<hbm>>, %arg4: memref<65536xf32, #tpu.memory_space<hbm>>, %arg5: memref<200x8x128x8x128xf32, #tpu.memory_space<hbm>>, %arg6: memref<8192xf32, #tpu.memory_space<vmem>>, %arg7: memref<8192xi32, #tpu.memory_space<vmem>>, %arg8: memref<2x4x8x128xf32, #tpu.memory_space<vmem>>, %arg9: memref<65536xf32, #tpu.memory_space<vmem>>, %arg10: memref<!tpu.dma_semaphore, #tpu.memory_space<semaphore_mem>>, %arg11: memref<!tpu.dma_semaphore, #tpu.memory_space<semaphore_mem>>, %arg12: memref<!tpu.dma_semaphore, #tpu.memory_space<semaphore_mem>>) attributes {dimension_semantics = [#tpu.dimension_semantics<core_parallel>, #tpu.dimension_semantics<subcore_parallel>], iteration_bounds = array<i64: 2, 16>, scalar_prefetch = 0 : i64, scratch_operands = 7 : i64, tpu.core_type = #tpu.core_type<sc_vector_subcore>, window_params = [{transform_indices = #map}, {transform_indices = #map}, {transform_indices = #map1}, {transform_indices = #map2}]} {
    %mul3A = arith.constant 2 : i32
    %mul3A_0 = arith.muli %arg1, %mul3A : i32
    %add3A = arith.addi %mul3A_0, %arg0 : i32
    %mul3A_1 = arith.constant 4 : i32
    %mul3A_2 = arith.muli %add3A, %mul3A_1 : i32
    %mul3A_3 = arith.constant 1024 : i32
    %mul3A_4 = arith.muli %mul3A_2, %mul3A_3 : i32
    "tpu.region"() ({
      %run_scoped3A = tpu.sem_alloc : memref<!tpu.dma_semaphore, #tpu.memory_space<semaphore_mem>>
      tpu.enqueue_dma source(%arg4 : memref<65536xf32, #tpu.memory_space<hbm>>) target(%arg9 : memref<65536xf32, #tpu.memory_space<vmem>>) target_semaphore(%run_scoped3A : memref<!tpu.dma_semaphore, #tpu.memory_space<semaphore_mem>>)
      tpu.wait_dma2 semaphore(%run_scoped3A : memref<!tpu.dma_semaphore, #tpu.memory_space<semaphore_mem>>) src(%arg4 : memref<65536xf32, #tpu.memory_space<hbm>>) dst(%arg9 : memref<65536xf32, #tpu.memory_space<vmem>>)
      tpu.yield
    }) : () -> ()
    %dma_start3A = arith.constant 0 : i32
    %dma_start3A_5 = arith.constant 0 : i32
    %dma_start3A_6 = tpu.memref_slice %arg6[%dma_start3A_5] : memref<8192xf32, #tpu.memory_space<vmem>> -> memref<4096xf32, #tpu.memory_space<vmem>>
    %dma_start3A_7 = tpu.memref_slice %arg2[%dma_start3A, %mul3A_4] : memref<25x131072xf32, #tpu.memory_space<hbm>> -> memref<1x4096xf32, #tpu.memory_space<hbm>>
    %dma_start3A_8 = tpu.memref_squeeze %dma_start3A_7 : memref<1x4096xf32, #tpu.memory_space<hbm>> -> memref<4096xf32, #tpu.memory_space<hbm>>
    %dma_start3A_9 = arith.constant 0 : i32
    %dma_start3A_10 = tpu.memref_slice %arg6[%dma_start3A_9] : memref<8192xf32, #tpu.memory_space<vmem>> -> memref<4096xf32, #tpu.memory_space<vmem>>
    %dma_start3A_11 = tpu.memref_slice %arg2[%dma_start3A, %mul3A_4] : memref<25x131072xf32, #tpu.memory_space<hbm>> -> memref<1x4096xf32, #tpu.memory_space<hbm>>
    %dma_start3A_12 = tpu.memref_squeeze %dma_start3A_11 : memref<1x4096xf32, #tpu.memory_space<hbm>> -> memref<4096xf32, #tpu.memory_space<hbm>>
    tpu.enqueue_dma source(%dma_start3A_12 : memref<4096xf32, #tpu.memory_space<hbm>>) target(%dma_start3A_10 : memref<4096xf32, #tpu.memory_space<vmem>>) target_semaphore(%arg10 : memref<!tpu.dma_semaphore, #tpu.memory_space<semaphore_mem>>)
    %dma_start3A_13 = arith.constant 0 : i32
    %dma_start3A_14 = arith.constant 0 : i32
    %dma_start3A_15 = tpu.memref_slice %arg7[%dma_start3A_14] : memref<8192xi32, #tpu.memory_space<vmem>> -> memref<4096xi32, #tpu.memory_space<vmem>>
    %dma_start3A_16 = tpu.memref_slice %arg3[%dma_start3A_13, %mul3A_4] : memref<25x131072xi32, #tpu.memory_space<hbm>> -> memref<1x4096xi32, #tpu.memory_space<hbm>>
    %dma_start3A_17 = tpu.memref_squeeze %dma_start3A_16 : memref<1x4096xi32, #tpu.memory_space<hbm>> -> memref<4096xi32, #tpu.memory_space<hbm>>
    %dma_start3A_18 = arith.constant 0 : i32
    %dma_start3A_19 = tpu.memref_slice %arg7[%dma_start3A_18] : memref<8192xi32, #tpu.memory_space<vmem>> -> memref<4096xi32, #tpu.memory_space<vmem>>
    %dma_start3A_20 = tpu.memref_slice %arg3[%dma_start3A_13, %mul3A_4] : memref<25x131072xi32, #tpu.memory_space<hbm>> -> memref<1x4096xi32, #tpu.memory_space<hbm>>
    %dma_start3A_21 = tpu.memref_squeeze %dma_start3A_20 : memref<1x4096xi32, #tpu.memory_space<hbm>> -> memref<4096xi32, #tpu.memory_space<hbm>>
    tpu.enqueue_dma source(%dma_start3A_21 : memref<4096xi32, #tpu.memory_space<hbm>>) target(%dma_start3A_19 : memref<4096xi32, #tpu.memory_space<vmem>>) target_semaphore(%arg10 : memref<!tpu.dma_semaphore, #tpu.memory_space<semaphore_mem>>)
    %scan3A = arith.constant 0 : i32
    %scan3A_22 = arith.constant 0 : i32
    %scan3A_23 = arith.constant 25 : i32
    %scan3A_24 = arith.addi %scan3A_22, %scan3A_23 : i32
    %scan3A_25 = arith.constant 1 : i32
    scf.for %scan3A_72 = %scan3A_22 to %scan3A_24 step %scan3A_25  : i32 {
      %jit3A = arith.constant 2 : i32
      %eq3A = arith.constant 0 : i32
      %eq3A_73 = arith.cmpi eq, %jit3A, %eq3A : i32
      %jit3A_74 = arith.constant 1 : i32
      %select_n3A = arith.select %eq3A_73, %jit3A_74, %jit3A : i32
      %rem3A = arith.remsi %scan3A_72, %select_n3A : i32
      %ne3A = arith.constant 0 : i32
      %ne3A_75 = arith.cmpi ne, %rem3A, %ne3A : i32
      %lt3A = arith.constant 0 : i32
      %lt3A_76 = arith.cmpi slt, %rem3A, %lt3A : i32
      %lt3A_77 = arith.constant 0 : i32
      %lt3A_78 = arith.cmpi slt, %select_n3A, %lt3A_77 : i32
      %ne3A_79 = arith.xori %lt3A_76, %lt3A_78 : i1
      %and3A = arith.andi %ne3A_79, %ne3A_75 : i1
      %add3A_80 = arith.addi %rem3A, %select_n3A : i32
      %select_n3A_81 = arith.select %and3A, %add3A_80, %rem3A : i32
      %mul3A_82 = arith.constant 4096 : i32
      %mul3A_83 = arith.muli %select_n3A_81, %mul3A_82 : i32
      %dma_wait3A_84 = tpu.memref_slice %arg6[%mul3A_83] : memref<8192xf32, #tpu.memory_space<vmem>> -> memref<4096xf32, #tpu.memory_space<vmem>>
      %dma_wait3A_85 = tpu.memref_slice %arg2[%scan3A_72, %mul3A_4] : memref<25x131072xf32, #tpu.memory_space<hbm>> -> memref<1x4096xf32, #tpu.memory_space<hbm>>
      %dma_wait3A_86 = tpu.memref_squeeze %dma_wait3A_85 : memref<1x4096xf32, #tpu.memory_space<hbm>> -> memref<4096xf32, #tpu.memory_space<hbm>>
      %dma_wait3A_87 = tpu.memref_slice %arg6[%mul3A_83] : memref<8192xf32, #tpu.memory_space<vmem>> -> memref<4096xf32, #tpu.memory_space<vmem>>
      %dma_wait3A_88 = tpu.memref_slice %arg2[%scan3A_72, %mul3A_4] : memref<25x131072xf32, #tpu.memory_space<hbm>> -> memref<1x4096xf32, #tpu.memory_space<hbm>>
      %dma_wait3A_89 = tpu.memref_squeeze %dma_wait3A_88 : memref<1x4096xf32, #tpu.memory_space<hbm>> -> memref<4096xf32, #tpu.memory_space<hbm>>
      tpu.wait_dma2 semaphore(%arg10 : memref<!tpu.dma_semaphore, #tpu.memory_space<semaphore_mem>>) src(%dma_wait3A_89 : memref<4096xf32, #tpu.memory_space<hbm>>) dst(%dma_wait3A_87 : memref<4096xf32, #tpu.memory_space<vmem>>)
      %dma_wait3A_90 = tpu.memref_slice %arg7[%mul3A_83] : memref<8192xi32, #tpu.memory_space<vmem>> -> memref<4096xi32, #tpu.memory_space<vmem>>
      %dma_wait3A_91 = tpu.memref_slice %arg3[%scan3A_72, %mul3A_4] : memref<25x131072xi32, #tpu.memory_space<hbm>> -> memref<1x4096xi32, #tpu.memory_space<hbm>>
      %dma_wait3A_92 = tpu.memref_squeeze %dma_wait3A_91 : memref<1x4096xi32, #tpu.memory_space<hbm>> -> memref<4096xi32, #tpu.memory_space<hbm>>
      %dma_wait3A_93 = tpu.memref_slice %arg7[%mul3A_83] : memref<8192xi32, #tpu.memory_space<vmem>> -> memref<4096xi32, #tpu.memory_space<vmem>>
      %dma_wait3A_94 = tpu.memref_slice %arg3[%scan3A_72, %mul3A_4] : memref<25x131072xi32, #tpu.memory_space<hbm>> -> memref<1x4096xi32, #tpu.memory_space<hbm>>
      %dma_wait3A_95 = tpu.memref_squeeze %dma_wait3A_94 : memref<1x4096xi32, #tpu.memory_space<hbm>> -> memref<4096xi32, #tpu.memory_space<hbm>>
      tpu.wait_dma2 semaphore(%arg10 : memref<!tpu.dma_semaphore, #tpu.memory_space<semaphore_mem>>) src(%dma_wait3A_95 : memref<4096xi32, #tpu.memory_space<hbm>>) dst(%dma_wait3A_93 : memref<4096xi32, #tpu.memory_space<vmem>>)
      %add3A_96 = arith.constant 1 : i32
      %add3A_97 = arith.addi %scan3A_72, %add3A_96 : i32
      %lt3A_98 = arith.constant 25 : i32
      %lt3A_99 = arith.cmpi slt, %add3A_97, %lt3A_98 : i32
      %convert_element_type3A = arith.extui %lt3A_99 : i1 to i32
      %cond3A = arith.constant 0 : i32
      %cond3A_100 = arith.cmpi ne, %convert_element_type3A, %cond3A : i32
      scf.if %cond3A_100 {
        %add3A_109 = arith.constant 1 : i32
        %add3A_110 = arith.addi %scan3A_72, %add3A_109 : i32
        %sub3A = arith.constant 4096 : i32
        %sub3A_111 = arith.subi %sub3A, %mul3A_83 : i32
        %dma_start3A_112 = tpu.memref_slice %arg6[%sub3A_111] : memref<8192xf32, #tpu.memory_space<vmem>> -> memref<4096xf32, #tpu.memory_space<vmem>>
        %dma_start3A_113 = tpu.memref_slice %arg2[%add3A_110, %mul3A_4] : memref<25x131072xf32, #tpu.memory_space<hbm>> -> memref<1x4096xf32, #tpu.memory_space<hbm>>
        %dma_start3A_114 = tpu.memref_squeeze %dma_start3A_113 : memref<1x4096xf32, #tpu.memory_space<hbm>> -> memref<4096xf32, #tpu.memory_space<hbm>>
        %dma_start3A_115 = tpu.memref_slice %arg6[%sub3A_111] : memref<8192xf32, #tpu.memory_space<vmem>> -> memref<4096xf32, #tpu.memory_space<vmem>>
        %dma_start3A_116 = tpu.memref_slice %arg2[%add3A_110, %mul3A_4] : memref<25x131072xf32, #tpu.memory_space<hbm>> -> memref<1x4096xf32, #tpu.memory_space<hbm>>
        %dma_start3A_117 = tpu.memref_squeeze %dma_start3A_116 : memref<1x4096xf32, #tpu.memory_space<hbm>> -> memref<4096xf32, #tpu.memory_space<hbm>>
        tpu.enqueue_dma source(%dma_start3A_117 : memref<4096xf32, #tpu.memory_space<hbm>>) target(%dma_start3A_115 : memref<4096xf32, #tpu.memory_space<vmem>>) target_semaphore(%arg10 : memref<!tpu.dma_semaphore, #tpu.memory_space<semaphore_mem>>)
        %dma_start3A_118 = tpu.memref_slice %arg7[%sub3A_111] : memref<8192xi32, #tpu.memory_space<vmem>> -> memref<4096xi32, #tpu.memory_space<vmem>>
        %dma_start3A_119 = tpu.memref_slice %arg3[%add3A_110, %mul3A_4] : memref<25x131072xi32, #tpu.memory_space<hbm>> -> memref<1x4096xi32, #tpu.memory_space<hbm>>
        %dma_start3A_120 = tpu.memref_squeeze %dma_start3A_119 : memref<1x4096xi32, #tpu.memory_space<hbm>> -> memref<4096xi32, #tpu.memory_space<hbm>>
        %dma_start3A_121 = tpu.memref_slice %arg7[%sub3A_111] : memref<8192xi32, #tpu.memory_space<vmem>> -> memref<4096xi32, #tpu.memory_space<vmem>>
        %dma_start3A_122 = tpu.memref_slice %arg3[%add3A_110, %mul3A_4] : memref<25x131072xi32, #tpu.memory_space<hbm>> -> memref<1x4096xi32, #tpu.memory_space<hbm>>
        %dma_start3A_123 = tpu.memref_squeeze %dma_start3A_122 : memref<1x4096xi32, #tpu.memory_space<hbm>> -> memref<4096xi32, #tpu.memory_space<hbm>>
        tpu.enqueue_dma source(%dma_start3A_123 : memref<4096xi32, #tpu.memory_space<hbm>>) target(%dma_start3A_121 : memref<4096xi32, #tpu.memory_space<vmem>>) target_semaphore(%arg10 : memref<!tpu.dma_semaphore, #tpu.memory_space<semaphore_mem>>)
      } else {
      }
      %parallel_loop3A = arith.constant 0 : i32
      %parallel_loop3A_101 = arith.constant 256 : i32
      %parallel_loop3A_102 = arith.constant 1 : i32
      scf.for %parallel_loop3A_109 = %parallel_loop3A to %parallel_loop3A_101 step %parallel_loop3A_102  : i32 {
        %parallel_loop3A_110 = arith.constant 16 : i32
        %parallel_loop3A_111 = arith.muli %parallel_loop3A_109, %parallel_loop3A_110 : i32
        %parallel_loop3A_112 = arith.addi %mul3A_83, %parallel_loop3A_111 : i32
        %parallel_loop3A_113 = arith.index_cast %parallel_loop3A_112 : i32 to index
        %parallel_loop3A_114 = tpu.vector_load %arg6[%parallel_loop3A_113] {strides = array<i32>} : memref<8192xf32, #tpu.memory_space<vmem>>, vector<16xf32>,
        %parallel_loop3A_115 = arith.constant 16 : i32
        %parallel_loop3A_116 = arith.muli %parallel_loop3A_109, %parallel_loop3A_115 : i32
        %parallel_loop3A_117 = arith.addi %mul3A_83, %parallel_loop3A_116 : i32
        %parallel_loop3A_118 = arith.index_cast %parallel_loop3A_117 : i32 to index
        %parallel_loop3A_119 = tpu.vector_load %arg7[%parallel_loop3A_118] {strides = array<i32>} : memref<8192xi32, #tpu.memory_space<vmem>>, vector<16xi32>,
        %parallel_loop3A_120 = arith.constant 0.000000e+00 : f32
        %parallel_loop3A_121 = vector.broadcast %parallel_loop3A_120 : f32 to vector<16xf32>
        %parallel_loop3A_122 = arith.maximumf %parallel_loop3A_114, %parallel_loop3A_121 : vector<16xf32>
        %parallel_loop3A_123 = arith.constant 1.000000e+00 : f32
        %parallel_loop3A_124 = vector.broadcast %parallel_loop3A_123 : f32 to vector<16xf32>
        %parallel_loop3A_125 = arith.minimumf %parallel_loop3A_122, %parallel_loop3A_124 : vector<16xf32>
        %parallel_loop3A_126 = arith.constant 1.000000e+03 : f32
        %parallel_loop3A_127 = vector.broadcast %parallel_loop3A_126 : f32 to vector<16xf32>
        %parallel_loop3A_128 = arith.mulf %parallel_loop3A_125, %parallel_loop3A_127 : vector<16xf32>
        %parallel_loop3A_129 = arith.fptosi %parallel_loop3A_128 : vector<16xf32> to vector<16xi32>
        %parallel_loop3A_130 = arith.constant 3 : i32
        %parallel_loop3A_131 = vector.broadcast %parallel_loop3A_130 : i32 to vector<16xi32>
        %parallel_loop3A_132 = arith.addi %parallel_loop3A_129, %parallel_loop3A_131 : vector<16xi32>
        %parallel_loop3A_133 = arith.constant 0 : i32
        %parallel_loop3A_134 = vector.broadcast %parallel_loop3A_133 : i32 to vector<16xi32>
        %parallel_loop3A_135 = arith.cmpi eq, %parallel_loop3A_119, %parallel_loop3A_134 : vector<16xi32>
        %parallel_loop3A_136 = arith.select %parallel_loop3A_135, %parallel_loop3A_132, %parallel_loop3A_119 : vector<16xi1>, vector<16xi32>
        %parallel_loop3A_137 = arith.constant 0 : i32
        %parallel_loop3A_138 = vector.broadcast %parallel_loop3A_137 : i32 to vector<16xi32>
        %parallel_loop3A_139 = arith.maxsi %parallel_loop3A_136, %parallel_loop3A_138 : vector<16xi32>
        %parallel_loop3A_140 = arith.constant 1002 : i32
        %parallel_loop3A_141 = vector.broadcast %parallel_loop3A_140 : i32 to vector<16xi32>
        %parallel_loop3A_142 = arith.minsi %parallel_loop3A_139, %parallel_loop3A_141 : vector<16xi32>
        %parallel_loop3A_143 = arith.constant 16 : i32
        %parallel_loop3A_144 = arith.muli %parallel_loop3A_109, %parallel_loop3A_143 : i32
        %parallel_loop3A_145 = arith.addi %mul3A_83, %parallel_loop3A_144 : i32
        %parallel_loop3A_146 = arith.index_cast %parallel_loop3A_145 : i32 to index
        %parallel_loop3A_147 = tpu.vector_load %arg7[%parallel_loop3A_146] {strides = array<i32>} : memref<8192xi32, #tpu.memory_space<vmem>>, vector<16xi32>,
        tpu.vector_store %arg7[%parallel_loop3A_146], %parallel_loop3A_142 {strides = array<i32>} : memref<8192xi32, #tpu.memory_space<vmem>>, vector<16xi32>,
      } {sc.loop_unroll_factor = 4 : i64, sc.parallel_access}
      %scan3A_103 = arith.constant 0 : i32
      %scan3A_104 = arith.constant 0 : i32
      %scan3A_105 = arith.constant 8 : i32
      %scan3A_106 = arith.addi %scan3A_104, %scan3A_105 : i32
      %scan3A_107 = arith.constant 1 : i32
      scf.for %scan3A_109 = %scan3A_104 to %scan3A_106 step %scan3A_107  : i32 {
        %mul3A_110 = arith.constant 8 : i32
        %mul3A_111 = arith.muli %scan3A_72, %mul3A_110 : i32
        %add3A_112 = arith.addi %mul3A_111, %scan3A_109 : i32
        %scan3A_113 = arith.constant 0 : i32
        %scan3A_114 = arith.constant 0 : i32
        %scan3A_115 = arith.constant 4 : i32
        %scan3A_116 = arith.addi %scan3A_114, %scan3A_115 : i32
        %scan3A_117 = arith.constant 1 : i32
        scf.for %scan3A_119 = %scan3A_114 to %scan3A_116 step %scan3A_117  : i32 {
          %mul3A_120 = arith.constant 2 : i32
          %mul3A_121 = arith.muli %mul3A_120, %scan3A_119 : i32
          %add3A_122 = arith.constant 0 : i32
          %add3A_123 = arith.addi %mul3A_121, %add3A_122 : i32
          %mul3A_124 = arith.constant 8 : i32
          %mul3A_125 = arith.muli %scan3A_72, %mul3A_124 : i32
          %add3A_126 = arith.addi %mul3A_125, %scan3A_109 : i32
          %mul3A_127 = arith.constant 8 : i32
          %mul3A_128 = arith.muli %add3A_126, %mul3A_127 : i32
          %add3A_129 = arith.addi %mul3A_128, %add3A_123 : i32
          %ge3A = arith.constant 2 : i32
          %ge3A_130 = arith.cmpi sge, %add3A_129, %ge3A : i32
          %convert_element_type3A_131 = arith.extui %ge3A_130 : i1 to i32
          %cond3A_132 = arith.constant 0 : i32
          %cond3A_133 = arith.cmpi ne, %convert_element_type3A_131, %cond3A_132 : i32
          scf.if %cond3A_133 {
            %mul3A_197 = arith.constant 4 : i32
            %mul3A_198 = arith.muli %add3A, %mul3A_197 : i32
            %dma_wait3A_199 = arith.constant 0 : i32
            %dma_wait3A_200 = arith.constant 0 : i32
            %dma_wait3A_201 = arith.constant 0 : i32
            %dma_wait3A_202 = arith.constant 0 : i32
            %dma_wait3A_203 = tpu.memref_slice %arg8[%dma_wait3A_199, %dma_wait3A_200, %dma_wait3A_201, %dma_wait3A_202] : memref<2x4x8x128xf32, #tpu.memory_space<vmem>> -> memref<1x4x8x128xf32, #tpu.memory_space<vmem>>
            %dma_wait3A_204 = tpu.memref_squeeze %dma_wait3A_203 : memref<1x4x8x128xf32, #tpu.memory_space<vmem>> -> memref<4x8x128xf32, #tpu.memory_space<vmem>>
            %dma_wait3A_205 = arith.constant 0 : i32
            %dma_wait3A_206 = arith.constant 0 : i32
            %dma_wait3A_207 = tpu.memref_slice %arg5[%add3A_112, %add3A_123, %mul3A_198, %dma_wait3A_205, %dma_wait3A_206] : memref<200x8x128x8x128xf32, #tpu.memory_space<hbm>> -> memref<1x1x4x8x128xf32, #tpu.memory_space<hbm>>
            %dma_wait3A_208 = tpu.memref_squeeze %dma_wait3A_207 : memref<1x1x4x8x128xf32, #tpu.memory_space<hbm>> -> memref<4x8x128xf32, #tpu.memory_space<hbm>>
            %dma_wait3A_209 = arith.constant 0 : i32
            %dma_wait3A_210 = arith.constant 0 : i32
            %dma_wait3A_211 = tpu.memref_slice %arg5[%add3A_112, %add3A_123, %mul3A_198, %dma_wait3A_209, %dma_wait3A_210] : memref<200x8x128x8x128xf32, #tpu.memory_space<hbm>> -> memref<1x1x4x8x128xf32, #tpu.memory_space<hbm>>
            %dma_wait3A_212 = tpu.memref_squeeze %dma_wait3A_211 : memref<1x1x4x8x128xf32, #tpu.memory_space<hbm>> -> memref<4x8x128xf32, #tpu.memory_space<hbm>>
            %dma_wait3A_213 = arith.constant 0 : i32
            %dma_wait3A_214 = arith.constant 0 : i32
            %dma_wait3A_215 = arith.constant 0 : i32
            %dma_wait3A_216 = tpu.memref_slice %arg8[%dma_wait3A_199, %dma_wait3A_213, %dma_wait3A_214, %dma_wait3A_215] : memref<2x4x8x128xf32, #tpu.memory_space<vmem>> -> memref<1x4x8x128xf32, #tpu.memory_space<vmem>>
            %dma_wait3A_217 = tpu.memref_squeeze %dma_wait3A_216 : memref<1x4x8x128xf32, #tpu.memory_space<vmem>> -> memref<4x8x128xf32, #tpu.memory_space<vmem>>
            tpu.wait_dma2 semaphore(%arg11 : memref<!tpu.dma_semaphore, #tpu.memory_space<semaphore_mem>>) src(%dma_wait3A_217 : memref<4x8x128xf32, #tpu.memory_space<vmem>>) dst(%dma_wait3A_212 : memref<4x8x128xf32, #tpu.memory_space<hbm>>)
          } else {
          }
          %parallel_loop3A_134 = arith.constant 0 : i32
          %parallel_loop3A_135 = arith.constant 32 : i32
          %parallel_loop3A_136 = arith.constant 1 : i32
          scf.for %parallel_loop3A_197 = %parallel_loop3A_134 to %parallel_loop3A_135 step %parallel_loop3A_136  : i32 {
            %parallel_loop3A_198 = arith.constant 8 : i32
            %parallel_loop3A_199 = arith.divsi %parallel_loop3A_197, %parallel_loop3A_198 : i32
            %parallel_loop3A_200 = arith.constant 0 : i32
            %parallel_loop3A_201 = arith.cmpi sgt, %parallel_loop3A_197, %parallel_loop3A_200 : i32
            %parallel_loop3A_202 = arith.extui %parallel_loop3A_201 : i1 to i32
            %parallel_loop3A_203 = arith.constant 0 : i32
            %parallel_loop3A_204 = arith.cmpi slt, %parallel_loop3A_197, %parallel_loop3A_203 : i32
            %parallel_loop3A_205 = arith.extui %parallel_loop3A_204 : i1 to i32
            %parallel_loop3A_206 = arith.subi %parallel_loop3A_202, %parallel_loop3A_205 : i32
            %parallel_loop3A_207 = arith.constant 0 : i32
            %parallel_loop3A_208 = arith.cmpi sgt, %parallel_loop3A_198, %parallel_loop3A_207 : i32
            %parallel_loop3A_209 = arith.extui %parallel_loop3A_208 : i1 to i32
            %parallel_loop3A_210 = arith.constant 0 : i32
            %parallel_loop3A_211 = arith.cmpi slt, %parallel_loop3A_198, %parallel_loop3A_210 : i32
            %parallel_loop3A_212 = arith.extui %parallel_loop3A_211 : i1 to i32
            %parallel_loop3A_213 = arith.subi %parallel_loop3A_209, %parallel_loop3A_212 : i32
            %parallel_loop3A_214 = arith.cmpi ne, %parallel_loop3A_206, %parallel_loop3A_213 : i32
            %parallel_loop3A_215 = arith.remsi %parallel_loop3A_197, %parallel_loop3A_198 : i32
            %parallel_loop3A_216 = arith.constant 0 : i32
            %parallel_loop3A_217 = arith.cmpi ne, %parallel_loop3A_215, %parallel_loop3A_216 : i32
            %parallel_loop3A_218 = arith.andi %parallel_loop3A_214, %parallel_loop3A_217 : i1
            %parallel_loop3A_219 = arith.constant 1 : i32
            %parallel_loop3A_220 = arith.subi %parallel_loop3A_199, %parallel_loop3A_219 : i32
            %parallel_loop3A_221 = arith.select %parallel_loop3A_218, %parallel_loop3A_220, %parallel_loop3A_199 : i32
            %parallel_loop3A_222 = arith.constant 8 : i32
            %parallel_loop3A_223 = arith.constant 0 : i32
            %parallel_loop3A_224 = arith.cmpi eq, %parallel_loop3A_222, %parallel_loop3A_223 : i32
            %parallel_loop3A_225 = arith.constant 1 : i32
            %parallel_loop3A_226 = arith.select %parallel_loop3A_224, %parallel_loop3A_225, %parallel_loop3A_222 : i32
            %parallel_loop3A_227 = arith.remsi %parallel_loop3A_197, %parallel_loop3A_226 : i32
            %parallel_loop3A_228 = arith.constant 0 : i32
            %parallel_loop3A_229 = arith.cmpi ne, %parallel_loop3A_227, %parallel_loop3A_228 : i32
            %parallel_loop3A_230 = arith.constant 0 : i32
            %parallel_loop3A_231 = arith.cmpi slt, %parallel_loop3A_227, %parallel_loop3A_230 : i32
            %parallel_loop3A_232 = arith.constant 0 : i32
            %parallel_loop3A_233 = arith.cmpi slt, %parallel_loop3A_226, %parallel_loop3A_232 : i32
            %parallel_loop3A_234 = arith.xori %parallel_loop3A_231, %parallel_loop3A_233 : i1
            %parallel_loop3A_235 = arith.andi %parallel_loop3A_234, %parallel_loop3A_229 : i1
            %parallel_loop3A_236 = arith.addi %parallel_loop3A_227, %parallel_loop3A_226 : i32
            %parallel_loop3A_237 = arith.select %parallel_loop3A_235, %parallel_loop3A_236, %parallel_loop3A_227 : i32
            %parallel_loop3A_238 = arith.constant 1024 : i32
            %parallel_loop3A_239 = arith.muli %parallel_loop3A_221, %parallel_loop3A_238 : i32
            %parallel_loop3A_240 = arith.addi %mul3A_83, %parallel_loop3A_239 : i32
            %parallel_loop3A_241 = arith.constant 128 : i32
            %parallel_loop3A_242 = arith.muli %scan3A_109, %parallel_loop3A_241 : i32
            %parallel_loop3A_243 = arith.addi %parallel_loop3A_240, %parallel_loop3A_242 : i32
            %parallel_loop3A_244 = arith.constant 16 : i32
            %parallel_loop3A_245 = arith.muli %parallel_loop3A_237, %parallel_loop3A_244 : i32
            %parallel_loop3A_246 = arith.addi %parallel_loop3A_243, %parallel_loop3A_245 : i32
            %parallel_loop3A_247 = arith.index_cast %parallel_loop3A_246 : i32 to index
            %parallel_loop3A_248 = tpu.vector_load %arg7[%parallel_loop3A_247] {strides = array<i32>} : memref<8192xi32, #tpu.memory_space<vmem>>, vector<16xi32>,
            %parallel_loop3A_249 = arith.constant 8 : i32
            %parallel_loop3A_250 = arith.muli %add3A_123, %parallel_loop3A_249 : i32
            %parallel_loop3A_251 = arith.constant 0 : i32
            %parallel_loop3A_252 = arith.addi %parallel_loop3A_250, %parallel_loop3A_251 : i32
            %parallel_loop3A_253 = arith.constant 1024 : i32
            %parallel_loop3A_254 = arith.muli %parallel_loop3A_252, %parallel_loop3A_253 : i32
            %parallel_loop3A_255 = vector.broadcast %parallel_loop3A_254 : i32 to vector<16xi32>
            %parallel_loop3A_256 = arith.addi %parallel_loop3A_248, %parallel_loop3A_255 : vector<16xi32>
            %parallel_loop3A_257 = tpu.vector_load_idx %arg9[%parallel_loop3A_256] : memref<65536xf32, #tpu.memory_space<vmem>>[vector<16xi32>], vector<16xf32>,
            %parallel_loop3A_258 = arith.constant 16 : i32
            %parallel_loop3A_259 = arith.muli %parallel_loop3A_237, %parallel_loop3A_258 : i32
            %parallel_loop3A_260 = arith.constant 0 : i32
            %parallel_loop3A_261 = arith.constant 0 : i32
            %parallel_loop3A_262 = arith.index_cast %parallel_loop3A_260 : i32 to index
            %parallel_loop3A_263 = arith.index_cast %parallel_loop3A_221 : i32 to index
            %parallel_loop3A_264 = arith.index_cast %parallel_loop3A_261 : i32 to index
            %parallel_loop3A_265 = arith.index_cast %parallel_loop3A_259 : i32 to index
            %parallel_loop3A_266 = tpu.vector_load %arg8[%parallel_loop3A_262, %parallel_loop3A_263, %parallel_loop3A_264, %parallel_loop3A_265] {strides = array<i32>} : memref<2x4x8x128xf32, #tpu.memory_space<vmem>>, vector<16xf32>,
            tpu.vector_store %arg8[%parallel_loop3A_262, %parallel_loop3A_263, %parallel_loop3A_264, %parallel_loop3A_265], %parallel_loop3A_257 {strides = array<i32>} : memref<2x4x8x128xf32, #tpu.memory_space<vmem>>, vector<16xf32>,
            %parallel_loop3A_267 = arith.constant 8 : i32
            %parallel_loop3A_268 = arith.muli %add3A_123, %parallel_loop3A_267 : i32
            %parallel_loop3A_269 = arith.constant 1 : i32
            %parallel_loop3A_270 = arith.addi %parallel_loop3A_268, %parallel_loop3A_269 : i32
            %parallel_loop3A_271 = arith.constant 1024 : i32
            %parallel_loop3A_272 = arith.muli %parallel_loop3A_270, %parallel_loop3A_271 : i32
            %parallel_loop3A_273 = vector.broadcast %parallel_loop3A_272 : i32 to vector<16xi32>
            %parallel_loop3A_274 = arith.addi %parallel_loop3A_248, %parallel_loop3A_273 : vector<16xi32>
            %parallel_loop3A_275 = tpu.vector_load_idx %arg9[%parallel_loop3A_274] : memref<65536xf32, #tpu.memory_space<vmem>>[vector<16xi32>], vector<16xf32>,
            %parallel_loop3A_276 = arith.constant 16 : i32
            %parallel_loop3A_277 = arith.muli %parallel_loop3A_237, %parallel_loop3A_276 : i32
            %parallel_loop3A_278 = arith.constant 0 : i32
            %parallel_loop3A_279 = arith.constant 1 : i32
            %parallel_loop3A_280 = arith.index_cast %parallel_loop3A_278 : i32 to index
            %parallel_loop3A_281 = arith.index_cast %parallel_loop3A_221 : i32 to index
            %parallel_loop3A_282 = arith.index_cast %parallel_loop3A_279 : i32 to index
            %parallel_loop3A_283 = arith.index_cast %parallel_loop3A_277 : i32 to index
            %parallel_loop3A_284 = tpu.vector_load %arg8[%parallel_loop3A_280, %parallel_loop3A_281, %parallel_loop3A_282, %parallel_loop3A_283] {strides = array<i32>} : memref<2x4x8x128xf32, #tpu.memory_space<vmem>>, vector<16xf32>,
            tpu.vector_store %arg8[%parallel_loop3A_280, %parallel_loop3A_281, %parallel_loop3A_282, %parallel_loop3A_283], %parallel_loop3A_275 {strides = array<i32>} : memref<2x4x8x128xf32, #tpu.memory_space<vmem>>, vector<16xf32>,
            %parallel_loop3A_285 = arith.constant 8 : i32
            %parallel_loop3A_286 = arith.muli %add3A_123, %parallel_loop3A_285 : i32
            %parallel_loop3A_287 = arith.constant 2 : i32
            %parallel_loop3A_288 = arith.addi %parallel_loop3A_286, %parallel_loop3A_287 : i32
            %parallel_loop3A_289 = arith.constant 1024 : i32
            %parallel_loop3A_290 = arith.muli %parallel_loop3A_288, %parallel_loop3A_289 : i32
            %parallel_loop3A_291 = vector.broadcast %parallel_loop3A_290 : i32 to vector<16xi32>
            %parallel_loop3A_292 = arith.addi %parallel_loop3A_248, %parallel_loop3A_291 : vector<16xi32>
            %parallel_loop3A_293 = tpu.vector_load_idx %arg9[%parallel_loop3A_292] : memref<65536xf32, #tpu.memory_space<vmem>>[vector<16xi32>], vector<16xf32>,
            %parallel_loop3A_294 = arith.constant 16 : i32
            %parallel_loop3A_295 = arith.muli %parallel_loop3A_237, %parallel_loop3A_294 : i32
            %parallel_loop3A_296 = arith.constant 0 : i32
            %parallel_loop3A_297 = arith.constant 2 : i32
            %parallel_loop3A_298 = arith.index_cast %parallel_loop3A_296 : i32 to index
            %parallel_loop3A_299 = arith.index_cast %parallel_loop3A_221 : i32 to index
            %parallel_loop3A_300 = arith.index_cast %parallel_loop3A_297 : i32 to index
            %parallel_loop3A_301 = arith.index_cast %parallel_loop3A_295 : i32 to index
            %parallel_loop3A_302 = tpu.vector_load %arg8[%parallel_loop3A_298, %parallel_loop3A_299, %parallel_loop3A_300, %parallel_loop3A_301] {strides = array<i32>} : memref<2x4x8x128xf32, #tpu.memory_space<vmem>>, vector<16xf32>,
            tpu.vector_store %arg8[%parallel_loop3A_298, %parallel_loop3A_299, %parallel_loop3A_300, %parallel_loop3A_301], %parallel_loop3A_293 {strides = array<i32>} : memref<2x4x8x128xf32, #tpu.memory_space<vmem>>, vector<16xf32>,
            %parallel_loop3A_303 = arith.constant 8 : i32
            %parallel_loop3A_304 = arith.muli %add3A_123, %parallel_loop3A_303 : i32
            %parallel_loop3A_305 = arith.constant 3 : i32
            %parallel_loop3A_306 = arith.addi %parallel_loop3A_304, %parallel_loop3A_305 : i32
            %parallel_loop3A_307 = arith.constant 1024 : i32
            %parallel_loop3A_308 = arith.muli %parallel_loop3A_306, %parallel_loop3A_307 : i32
            %parallel_loop3A_309 = vector.broadcast %parallel_loop3A_308 : i32 to vector<16xi32>
            %parallel_loop3A_310 = arith.addi %parallel_loop3A_248, %parallel_loop3A_309 : vector<16xi32>
            %parallel_loop3A_311 = tpu.vector_load_idx %arg9[%parallel_loop3A_310] : memref<65536xf32, #tpu.memory_space<vmem>>[vector<16xi32>], vector<16xf32>,
            %parallel_loop3A_312 = arith.constant 16 : i32
            %parallel_loop3A_313 = arith.muli %parallel_loop3A_237, %parallel_loop3A_312 : i32
            %parallel_loop3A_314 = arith.constant 0 : i32
            %parallel_loop3A_315 = arith.constant 3 : i32
            %parallel_loop3A_316 = arith.index_cast %parallel_loop3A_314 : i32 to index
            %parallel_loop3A_317 = arith.index_cast %parallel_loop3A_221 : i32 to index
            %parallel_loop3A_318 = arith.index_cast %parallel_loop3A_315 : i32 to index
            %parallel_loop3A_319 = arith.index_cast %parallel_loop3A_313 : i32 to index
            %parallel_loop3A_320 = tpu.vector_load %arg8[%parallel_loop3A_316, %parallel_loop3A_317, %parallel_loop3A_318, %parallel_loop3A_319] {strides = array<i32>} : memref<2x4x8x128xf32, #tpu.memory_space<vmem>>, vector<16xf32>,
            tpu.vector_store %arg8[%parallel_loop3A_316, %parallel_loop3A_317, %parallel_loop3A_318, %parallel_loop3A_319], %parallel_loop3A_311 {strides = array<i32>} : memref<2x4x8x128xf32, #tpu.memory_space<vmem>>, vector<16xf32>,
            %parallel_loop3A_321 = arith.constant 8 : i32
            %parallel_loop3A_322 = arith.muli %add3A_123, %parallel_loop3A_321 : i32
            %parallel_loop3A_323 = arith.constant 4 : i32
            %parallel_loop3A_324 = arith.addi %parallel_loop3A_322, %parallel_loop3A_323 : i32
            %parallel_loop3A_325 = arith.constant 1024 : i32
            %parallel_loop3A_326 = arith.muli %parallel_loop3A_324, %parallel_loop3A_325 : i32
            %parallel_loop3A_327 = vector.broadcast %parallel_loop3A_326 : i32 to vector<16xi32>
            %parallel_loop3A_328 = arith.addi %parallel_loop3A_248, %parallel_loop3A_327 : vector<16xi32>
            %parallel_loop3A_329 = tpu.vector_load_idx %arg9[%parallel_loop3A_328] : memref<65536xf32, #tpu.memory_space<vmem>>[vector<16xi32>], vector<16xf32>,
            %parallel_loop3A_330 = arith.constant 16 : i32
            %parallel_loop3A_331 = arith.muli %parallel_loop3A_237, %parallel_loop3A_330 : i32
            %parallel_loop3A_332 = arith.constant 0 : i32
            %parallel_loop3A_333 = arith.constant 4 : i32
            %parallel_loop3A_334 = arith.index_cast %parallel_loop3A_332 : i32 to index
            %parallel_loop3A_335 = arith.index_cast %parallel_loop3A_221 : i32 to index
            %parallel_loop3A_336 = arith.index_cast %parallel_loop3A_333 : i32 to index
            %parallel_loop3A_337 = arith.index_cast %parallel_loop3A_331 : i32 to index
            %parallel_loop3A_338 = tpu.vector_load %arg8[%parallel_loop3A_334, %parallel_loop3A_335, %parallel_loop3A_336, %parallel_loop3A_337] {strides = array<i32>} : memref<2x4x8x128xf32, #tpu.memory_space<vmem>>, vector<16xf32>,
            tpu.vector_store %arg8[%parallel_loop3A_334, %parallel_loop3A_335, %parallel_loop3A_336, %parallel_loop3A_337], %parallel_loop3A_329 {strides = array<i32>} : memref<2x4x8x128xf32, #tpu.memory_space<vmem>>, vector<16xf32>,
            %parallel_loop3A_339 = arith.constant 8 : i32
            %parallel_loop3A_340 = arith.muli %add3A_123, %parallel_loop3A_339 : i32
            %parallel_loop3A_341 = arith.constant 5 : i32
            %parallel_loop3A_342 = arith.addi %parallel_loop3A_340, %parallel_loop3A_341 : i32
            %parallel_loop3A_343 = arith.constant 1024 : i32
            %parallel_loop3A_344 = arith.muli %parallel_loop3A_342, %parallel_loop3A_343 : i32
            %parallel_loop3A_345 = vector.broadcast %parallel_loop3A_344 : i32 to vector<16xi32>
            %parallel_loop3A_346 = arith.addi %parallel_loop3A_248, %parallel_loop3A_345 : vector<16xi32>
            %parallel_loop3A_347 = tpu.vector_load_idx %arg9[%parallel_loop3A_346] : memref<65536xf32, #tpu.memory_space<vmem>>[vector<16xi32>], vector<16xf32>,
            %parallel_loop3A_348 = arith.constant 16 : i32
            %parallel_loop3A_349 = arith.muli %parallel_loop3A_237, %parallel_loop3A_348 : i32
            %parallel_loop3A_350 = arith.constant 0 : i32
            %parallel_loop3A_351 = arith.constant 5 : i32
            %parallel_loop3A_352 = arith.index_cast %parallel_loop3A_350 : i32 to index
            %parallel_loop3A_353 = arith.index_cast %parallel_loop3A_221 : i32 to index
            %parallel_loop3A_354 = arith.index_cast %parallel_loop3A_351 : i32 to index
            %parallel_loop3A_355 = arith.index_cast %parallel_loop3A_349 : i32 to index
            %parallel_loop3A_356 = tpu.vector_load %arg8[%parallel_loop3A_352, %parallel_loop3A_353, %parallel_loop3A_354, %parallel_loop3A_355] {strides = array<i32>} : memref<2x4x8x128xf32, #tpu.memory_space<vmem>>, vector<16xf32>,
            tpu.vector_store %arg8[%parallel_loop3A_352, %parallel_loop3A_353, %parallel_loop3A_354, %parallel_loop3A_355], %parallel_loop3A_347 {strides = array<i32>} : memref<2x4x8x128xf32, #tpu.memory_space<vmem>>, vector<16xf32>,
            %parallel_loop3A_357 = arith.constant 8 : i32
            %parallel_loop3A_358 = arith.muli %add3A_123, %parallel_loop3A_357 : i32
            %parallel_loop3A_359 = arith.constant 6 : i32
            %parallel_loop3A_360 = arith.addi %parallel_loop3A_358, %parallel_loop3A_359 : i32
            %parallel_loop3A_361 = arith.constant 1024 : i32
            %parallel_loop3A_362 = arith.muli %parallel_loop3A_360, %parallel_loop3A_361 : i32
            %parallel_loop3A_363 = vector.broadcast %parallel_loop3A_362 : i32 to vector<16xi32>
            %parallel_loop3A_364 = arith.addi %parallel_loop3A_248, %parallel_loop3A_363 : vector<16xi32>
            %parallel_loop3A_365 = tpu.vector_load_idx %arg9[%parallel_loop3A_364] : memref<65536xf32, #tpu.memory_space<vmem>>[vector<16xi32>], vector<16xf32>,
            %parallel_loop3A_366 = arith.constant 16 : i32
            %parallel_loop3A_367 = arith.muli %parallel_loop3A_237, %parallel_loop3A_366 : i32
            %parallel_loop3A_368 = arith.constant 0 : i32
            %parallel_loop3A_369 = arith.constant 6 : i32
            %parallel_loop3A_370 = arith.index_cast %parallel_loop3A_368 : i32 to index
            %parallel_loop3A_371 = arith.index_cast %parallel_loop3A_221 : i32 to index
            %parallel_loop3A_372 = arith.index_cast %parallel_loop3A_369 : i32 to index
            %parallel_loop3A_373 = arith.index_cast %parallel_loop3A_367 : i32 to index
            %parallel_loop3A_374 = tpu.vector_load %arg8[%parallel_loop3A_370, %parallel_loop3A_371, %parallel_loop3A_372, %parallel_loop3A_373] {strides = array<i32>} : memref<2x4x8x128xf32, #tpu.memory_space<vmem>>, vector<16xf32>,
            tpu.vector_store %arg8[%parallel_loop3A_370, %parallel_loop3A_371, %parallel_loop3A_372, %parallel_loop3A_373], %parallel_loop3A_365 {strides = array<i32>} : memref<2x4x8x128xf32, #tpu.memory_space<vmem>>, vector<16xf32>,
            %parallel_loop3A_375 = arith.constant 8 : i32
            %parallel_loop3A_376 = arith.muli %add3A_123, %parallel_loop3A_375 : i32
            %parallel_loop3A_377 = arith.constant 7 : i32
            %parallel_loop3A_378 = arith.addi %parallel_loop3A_376, %parallel_loop3A_377 : i32
            %parallel_loop3A_379 = arith.constant 1024 : i32
            %parallel_loop3A_380 = arith.muli %parallel_loop3A_378, %parallel_loop3A_379 : i32
            %parallel_loop3A_381 = vector.broadcast %parallel_loop3A_380 : i32 to vector<16xi32>
            %parallel_loop3A_382 = arith.addi %parallel_loop3A_248, %parallel_loop3A_381 : vector<16xi32>
            %parallel_loop3A_383 = tpu.vector_load_idx %arg9[%parallel_loop3A_382] : memref<65536xf32, #tpu.memory_space<vmem>>[vector<16xi32>], vector<16xf32>,
            %parallel_loop3A_384 = arith.constant 16 : i32
            %parallel_loop3A_385 = arith.muli %parallel_loop3A_237, %parallel_loop3A_384 : i32
            %parallel_loop3A_386 = arith.constant 0 : i32
            %parallel_loop3A_387 = arith.constant 7 : i32
            %parallel_loop3A_388 = arith.index_cast %parallel_loop3A_386 : i32 to index
            %parallel_loop3A_389 = arith.index_cast %parallel_loop3A_221 : i32 to index
            %parallel_loop3A_390 = arith.index_cast %parallel_loop3A_387 : i32 to index
            %parallel_loop3A_391 = arith.index_cast %parallel_loop3A_385 : i32 to index
            %parallel_loop3A_392 = tpu.vector_load %arg8[%parallel_loop3A_388, %parallel_loop3A_389, %parallel_loop3A_390, %parallel_loop3A_391] {strides = array<i32>} : memref<2x4x8x128xf32, #tpu.memory_space<vmem>>, vector<16xf32>,
            tpu.vector_store %arg8[%parallel_loop3A_388, %parallel_loop3A_389, %parallel_loop3A_390, %parallel_loop3A_391], %parallel_loop3A_383 {strides = array<i32>} : memref<2x4x8x128xf32, #tpu.memory_space<vmem>>, vector<16xf32>,
          } {sc.loop_unroll_factor = 8 : i64, sc.parallel_access}
          %mul3A_137 = arith.constant 4 : i32
          %mul3A_138 = arith.muli %add3A, %mul3A_137 : i32
          %dma_start3A_139 = arith.constant 0 : i32
          %dma_start3A_140 = arith.constant 0 : i32
          %dma_start3A_141 = arith.constant 0 : i32
          %dma_start3A_142 = arith.constant 0 : i32
          %dma_start3A_143 = tpu.memref_slice %arg8[%dma_start3A_139, %dma_start3A_140, %dma_start3A_141, %dma_start3A_142] : memref<2x4x8x128xf32, #tpu.memory_space<vmem>> -> memref<1x4x8x128xf32, #tpu.memory_space<vmem>>
          %dma_start3A_144 = tpu.memref_squeeze %dma_start3A_143 : memref<1x4x8x128xf32, #tpu.memory_space<vmem>> -> memref<4x8x128xf32, #tpu.memory_space<vmem>>
          %dma_start3A_145 = arith.constant 0 : i32
          %dma_start3A_146 = arith.constant 0 : i32
          %dma_start3A_147 = tpu.memref_slice %arg5[%add3A_112, %add3A_123, %mul3A_138, %dma_start3A_145, %dma_start3A_146] : memref<200x8x128x8x128xf32, #tpu.memory_space<hbm>> -> memref<1x1x4x8x128xf32, #tpu.memory_space<hbm>>
          %dma_start3A_148 = tpu.memref_squeeze %dma_start3A_147 : memref<1x1x4x8x128xf32, #tpu.memory_space<hbm>> -> memref<4x8x128xf32, #tpu.memory_space<hbm>>
          %dma_start3A_149 = arith.constant 0 : i32
          %dma_start3A_150 = arith.constant 0 : i32
          %dma_start3A_151 = tpu.memref_slice %arg5[%add3A_112, %add3A_123, %mul3A_138, %dma_start3A_149, %dma_start3A_150] : memref<200x8x128x8x128xf32, #tpu.memory_space<hbm>> -> memref<1x1x4x8x128xf32, #tpu.memory_space<hbm>>
          %dma_start3A_152 = tpu.memref_squeeze %dma_start3A_151 : memref<1x1x4x8x128xf32, #tpu.memory_space<hbm>> -> memref<4x8x128xf32, #tpu.memory_space<hbm>>
          %dma_start3A_153 = arith.constant 0 : i32
          %dma_start3A_154 = arith.constant 0 : i32
          %dma_start3A_155 = arith.constant 0 : i32
          %dma_start3A_156 = tpu.memref_slice %arg8[%dma_start3A_139, %dma_start3A_153, %dma_start3A_154, %dma_start3A_155] : memref<2x4x8x128xf32, #tpu.memory_space<vmem>> -> memref<1x4x8x128xf32, #tpu.memory_space<vmem>>
          %dma_start3A_157 = tpu.memref_squeeze %dma_start3A_156 : memref<1x4x8x128xf32, #tpu.memory_space<vmem>> -> memref<4x8x128xf32, #tpu.memory_space<vmem>>
          tpu.enqueue_dma source(%dma_start3A_157 : memref<4x8x128xf32, #tpu.memory_space<vmem>>) target(%dma_start3A_152 : memref<4x8x128xf32, #tpu.memory_space<hbm>>) target_semaphore(%arg11 : memref<!tpu.dma_semaphore, #tpu.memory_space<semaphore_mem>>)
          %mul3A_158 = arith.constant 2 : i32
          %mul3A_159 = arith.muli %mul3A_158, %scan3A_119 : i32
          %add3A_160 = arith.constant 1 : i32
          %add3A_161 = arith.addi %mul3A_159, %add3A_160 : i32
          %mul3A_162 = arith.constant 8 : i32
          %mul3A_163 = arith.muli %scan3A_72, %mul3A_162 : i32
          %add3A_164 = arith.addi %mul3A_163, %scan3A_109 : i32
          %mul3A_165 = arith.constant 8 : i32
          %mul3A_166 = arith.muli %add3A_164, %mul3A_165 : i32
          %add3A_167 = arith.addi %mul3A_166, %add3A_161 : i32
          %ge3A_168 = arith.constant 2 : i32
          %ge3A_169 = arith.cmpi sge, %add3A_167, %ge3A_168 : i32
          %convert_element_type3A_170 = arith.extui %ge3A_169 : i1 to i32
          %cond3A_171 = arith.constant 0 : i32
          %cond3A_172 = arith.cmpi ne, %convert_element_type3A_170, %cond3A_171 : i32
          scf.if %cond3A_172 {
            %mul3A_197 = arith.constant 4 : i32
            %mul3A_198 = arith.muli %add3A, %mul3A_197 : i32
            %dma_wait3A_199 = arith.constant 1 : i32
            %dma_wait3A_200 = arith.constant 0 : i32
            %dma_wait3A_201 = arith.constant 0 : i32
            %dma_wait3A_202 = arith.constant 0 : i32
            %dma_wait3A_203 = tpu.memref_slice %arg8[%dma_wait3A_199, %dma_wait3A_200, %dma_wait3A_201, %dma_wait3A_202] : memref<2x4x8x128xf32, #tpu.memory_space<vmem>> -> memref<1x4x8x128xf32, #tpu.memory_space<vmem>>
            %dma_wait3A_204 = tpu.memref_squeeze %dma_wait3A_203 : memref<1x4x8x128xf32, #tpu.memory_space<vmem>> -> memref<4x8x128xf32, #tpu.memory_space<vmem>>
            %dma_wait3A_205 = arith.constant 0 : i32
            %dma_wait3A_206 = arith.constant 0 : i32
            %dma_wait3A_207 = tpu.memref_slice %arg5[%add3A_112, %add3A_161, %mul3A_198, %dma_wait3A_205, %dma_wait3A_206] : memref<200x8x128x8x128xf32, #tpu.memory_space<hbm>> -> memref<1x1x4x8x128xf32, #tpu.memory_space<hbm>>
            %dma_wait3A_208 = tpu.memref_squeeze %dma_wait3A_207 : memref<1x1x4x8x128xf32, #tpu.memory_space<hbm>> -> memref<4x8x128xf32, #tpu.memory_space<hbm>>
            %dma_wait3A_209 = arith.constant 0 : i32
            %dma_wait3A_210 = arith.constant 0 : i32
            %dma_wait3A_211 = tpu.memref_slice %arg5[%add3A_112, %add3A_161, %mul3A_198, %dma_wait3A_209, %dma_wait3A_210] : memref<200x8x128x8x128xf32, #tpu.memory_space<hbm>> -> memref<1x1x4x8x128xf32, #tpu.memory_space<hbm>>
            %dma_wait3A_212 = tpu.memref_squeeze %dma_wait3A_211 : memref<1x1x4x8x128xf32, #tpu.memory_space<hbm>> -> memref<4x8x128xf32, #tpu.memory_space<hbm>>
            %dma_wait3A_213 = arith.constant 0 : i32
            %dma_wait3A_214 = arith.constant 0 : i32
            %dma_wait3A_215 = arith.constant 0 : i32
            %dma_wait3A_216 = tpu.memref_slice %arg8[%dma_wait3A_199, %dma_wait3A_213, %dma_wait3A_214, %dma_wait3A_215] : memref<2x4x8x128xf32, #tpu.memory_space<vmem>> -> memref<1x4x8x128xf32, #tpu.memory_space<vmem>>
            %dma_wait3A_217 = tpu.memref_squeeze %dma_wait3A_216 : memref<1x4x8x128xf32, #tpu.memory_space<vmem>> -> memref<4x8x128xf32, #tpu.memory_space<vmem>>
            tpu.wait_dma2 semaphore(%arg12 : memref<!tpu.dma_semaphore, #tpu.memory_space<semaphore_mem>>) src(%dma_wait3A_217 : memref<4x8x128xf32, #tpu.memory_space<vmem>>) dst(%dma_wait3A_212 : memref<4x8x128xf32, #tpu.memory_space<hbm>>)
          } else {
          }
          %parallel_loop3A_173 = arith.constant 0 : i32
          %parallel_loop3A_174 = arith.constant 32 : i32
          %parallel_loop3A_175 = arith.constant 1 : i32
          scf.for %parallel_loop3A_197 = %parallel_loop3A_173 to %parallel_loop3A_174 step %parallel_loop3A_175  : i32 {
            %parallel_loop3A_198 = arith.constant 8 : i32
            %parallel_loop3A_199 = arith.divsi %parallel_loop3A_197, %parallel_loop3A_198 : i32
            %parallel_loop3A_200 = arith.constant 0 : i32
            %parallel_loop3A_201 = arith.cmpi sgt, %parallel_loop3A_197, %parallel_loop3A_200 : i32
            %parallel_loop3A_202 = arith.extui %parallel_loop3A_201 : i1 to i32
            %parallel_loop3A_203 = arith.constant 0 : i32
            %parallel_loop3A_204 = arith.cmpi slt, %parallel_loop3A_197, %parallel_loop3A_203 : i32
            %parallel_loop3A_205 = arith.extui %parallel_loop3A_204 : i1 to i32
            %parallel_loop3A_206 = arith.subi %parallel_loop3A_202, %parallel_loop3A_205 : i32
            %parallel_loop3A_207 = arith.constant 0 : i32
            %parallel_loop3A_208 = arith.cmpi sgt, %parallel_loop3A_198, %parallel_loop3A_207 : i32
            %parallel_loop3A_209 = arith.extui %parallel_loop3A_208 : i1 to i32
            %parallel_loop3A_210 = arith.constant 0 : i32
            %parallel_loop3A_211 = arith.cmpi slt, %parallel_loop3A_198, %parallel_loop3A_210 : i32
            %parallel_loop3A_212 = arith.extui %parallel_loop3A_211 : i1 to i32
            %parallel_loop3A_213 = arith.subi %parallel_loop3A_209, %parallel_loop3A_212 : i32
            %parallel_loop3A_214 = arith.cmpi ne, %parallel_loop3A_206, %parallel_loop3A_213 : i32
            %parallel_loop3A_215 = arith.remsi %parallel_loop3A_197, %parallel_loop3A_198 : i32
            %parallel_loop3A_216 = arith.constant 0 : i32
            %parallel_loop3A_217 = arith.cmpi ne, %parallel_loop3A_215, %parallel_loop3A_216 : i32
            %parallel_loop3A_218 = arith.andi %parallel_loop3A_214, %parallel_loop3A_217 : i1
            %parallel_loop3A_219 = arith.constant 1 : i32
            %parallel_loop3A_220 = arith.subi %parallel_loop3A_199, %parallel_loop3A_219 : i32
            %parallel_loop3A_221 = arith.select %parallel_loop3A_218, %parallel_loop3A_220, %parallel_loop3A_199 : i32
            %parallel_loop3A_222 = arith.constant 8 : i32
            %parallel_loop3A_223 = arith.constant 0 : i32
            %parallel_loop3A_224 = arith.cmpi eq, %parallel_loop3A_222, %parallel_loop3A_223 : i32
            %parallel_loop3A_225 = arith.constant 1 : i32
            %parallel_loop3A_226 = arith.select %parallel_loop3A_224, %parallel_loop3A_225, %parallel_loop3A_222 : i32
            %parallel_loop3A_227 = arith.remsi %parallel_loop3A_197, %parallel_loop3A_226 : i32
            %parallel_loop3A_228 = arith.constant 0 : i32
            %parallel_loop3A_229 = arith.cmpi ne, %parallel_loop3A_227, %parallel_loop3A_228 : i32
            %parallel_loop3A_230 = arith.constant 0 : i32
            %parallel_loop3A_231 = arith.cmpi slt, %parallel_loop3A_227, %parallel_loop3A_230 : i32
            %parallel_loop3A_232 = arith.constant 0 : i32
            %parallel_loop3A_233 = arith.cmpi slt, %parallel_loop3A_226, %parallel_loop3A_232 : i32
            %parallel_loop3A_234 = arith.xori %parallel_loop3A_231, %parallel_loop3A_233 : i1
            %parallel_loop3A_235 = arith.andi %parallel_loop3A_234, %parallel_loop3A_229 : i1
            %parallel_loop3A_236 = arith.addi %parallel_loop3A_227, %parallel_loop3A_226 : i32
            %parallel_loop3A_237 = arith.select %parallel_loop3A_235, %parallel_loop3A_236, %parallel_loop3A_227 : i32
            %parallel_loop3A_238 = arith.constant 1024 : i32
            %parallel_loop3A_239 = arith.muli %parallel_loop3A_221, %parallel_loop3A_238 : i32
            %parallel_loop3A_240 = arith.addi %mul3A_83, %parallel_loop3A_239 : i32
            %parallel_loop3A_241 = arith.constant 128 : i32
            %parallel_loop3A_242 = arith.muli %scan3A_109, %parallel_loop3A_241 : i32
            %parallel_loop3A_243 = arith.addi %parallel_loop3A_240, %parallel_loop3A_242 : i32
            %parallel_loop3A_244 = arith.constant 16 : i32
            %parallel_loop3A_245 = arith.muli %parallel_loop3A_237, %parallel_loop3A_244 : i32
            %parallel_loop3A_246 = arith.addi %parallel_loop3A_243, %parallel_loop3A_245 : i32
            %parallel_loop3A_247 = arith.index_cast %parallel_loop3A_246 : i32 to index
            %parallel_loop3A_248 = tpu.vector_load %arg7[%parallel_loop3A_247] {strides = array<i32>} : memref<8192xi32, #tpu.memory_space<vmem>>, vector<16xi32>,
            %parallel_loop3A_249 = arith.constant 8 : i32
            %parallel_loop3A_250 = arith.muli %add3A_161, %parallel_loop3A_249 : i32
            %parallel_loop3A_251 = arith.constant 0 : i32
            %parallel_loop3A_252 = arith.addi %parallel_loop3A_250, %parallel_loop3A_251 : i32
            %parallel_loop3A_253 = arith.constant 1024 : i32
            %parallel_loop3A_254 = arith.muli %parallel_loop3A_252, %parallel_loop3A_253 : i32
            %parallel_loop3A_255 = vector.broadcast %parallel_loop3A_254 : i32 to vector<16xi32>
            %parallel_loop3A_256 = arith.addi %parallel_loop3A_248, %parallel_loop3A_255 : vector<16xi32>
            %parallel_loop3A_257 = tpu.vector_load_idx %arg9[%parallel_loop3A_256] : memref<65536xf32, #tpu.memory_space<vmem>>[vector<16xi32>], vector<16xf32>,
            %parallel_loop3A_258 = arith.constant 16 : i32
            %parallel_loop3A_259 = arith.muli %parallel_loop3A_237, %parallel_loop3A_258 : i32
            %parallel_loop3A_260 = arith.constant 1 : i32
            %parallel_loop3A_261 = arith.constant 0 : i32
            %parallel_loop3A_262 = arith.index_cast %parallel_loop3A_260 : i32 to index
            %parallel_loop3A_263 = arith.index_cast %parallel_loop3A_221 : i32 to index
            %parallel_loop3A_264 = arith.index_cast %parallel_loop3A_261 : i32 to index
            %parallel_loop3A_265 = arith.index_cast %parallel_loop3A_259 : i32 to index
            %parallel_loop3A_266 = tpu.vector_load %arg8[%parallel_loop3A_262, %parallel_loop3A_263, %parallel_loop3A_264, %parallel_loop3A_265] {strides = array<i32>} : memref<2x4x8x128xf32, #tpu.memory_space<vmem>>, vector<16xf32>,
            tpu.vector_store %arg8[%parallel_loop3A_262, %parallel_loop3A_263, %parallel_loop3A_264, %parallel_loop3A_265], %parallel_loop3A_257 {strides = array<i32>} : memref<2x4x8x128xf32, #tpu.memory_space<vmem>>, vector<16xf32>,
            %parallel_loop3A_267 = arith.constant 8 : i32
            %parallel_loop3A_268 = arith.muli %add3A_161, %parallel_loop3A_267 : i32
            %parallel_loop3A_269 = arith.constant 1 : i32
            %parallel_loop3A_270 = arith.addi %parallel_loop3A_268, %parallel_loop3A_269 : i32
            %parallel_loop3A_271 = arith.constant 1024 : i32
            %parallel_loop3A_272 = arith.muli %parallel_loop3A_270, %parallel_loop3A_271 : i32
            %parallel_loop3A_273 = vector.broadcast %parallel_loop3A_272 : i32 to vector<16xi32>
            %parallel_loop3A_274 = arith.addi %parallel_loop3A_248, %parallel_loop3A_273 : vector<16xi32>
            %parallel_loop3A_275 = tpu.vector_load_idx %arg9[%parallel_loop3A_274] : memref<65536xf32, #tpu.memory_space<vmem>>[vector<16xi32>], vector<16xf32>,
            %parallel_loop3A_276 = arith.constant 16 : i32
            %parallel_loop3A_277 = arith.muli %parallel_loop3A_237, %parallel_loop3A_276 : i32
            %parallel_loop3A_278 = arith.constant 1 : i32
            %parallel_loop3A_279 = arith.constant 1 : i32
            %parallel_loop3A_280 = arith.index_cast %parallel_loop3A_278 : i32 to index
            %parallel_loop3A_281 = arith.index_cast %parallel_loop3A_221 : i32 to index
            %parallel_loop3A_282 = arith.index_cast %parallel_loop3A_279 : i32 to index
            %parallel_loop3A_283 = arith.index_cast %parallel_loop3A_277 : i32 to index
            %parallel_loop3A_284 = tpu.vector_load %arg8[%parallel_loop3A_280, %parallel_loop3A_281, %parallel_loop3A_282, %parallel_loop3A_283] {strides = array<i32>} : memref<2x4x8x128xf32, #tpu.memory_space<vmem>>, vector<16xf32>,
            tpu.vector_store %arg8[%parallel_loop3A_280, %parallel_loop3A_281, %parallel_loop3A_282, %parallel_loop3A_283], %parallel_loop3A_275 {strides = array<i32>} : memref<2x4x8x128xf32, #tpu.memory_space<vmem>>, vector<16xf32>,
            %parallel_loop3A_285 = arith.constant 8 : i32
            %parallel_loop3A_286 = arith.muli %add3A_161, %parallel_loop3A_285 : i32
            %parallel_loop3A_287 = arith.constant 2 : i32
            %parallel_loop3A_288 = arith.addi %parallel_loop3A_286, %parallel_loop3A_287 : i32
            %parallel_loop3A_289 = arith.constant 1024 : i32
            %parallel_loop3A_290 = arith.muli %parallel_loop3A_288, %parallel_loop3A_289 : i32
            %parallel_loop3A_291 = vector.broadcast %parallel_loop3A_290 : i32 to vector<16xi32>
            %parallel_loop3A_292 = arith.addi %parallel_loop3A_248, %parallel_loop3A_291 : vector<16xi32>
            %parallel_loop3A_293 = tpu.vector_load_idx %arg9[%parallel_loop3A_292] : memref<65536xf32, #tpu.memory_space<vmem>>[vector<16xi32>], vector<16xf32>,
            %parallel_loop3A_294 = arith.constant 16 : i32
            %parallel_loop3A_295 = arith.muli %parallel_loop3A_237, %parallel_loop3A_294 : i32
            %parallel_loop3A_296 = arith.constant 1 : i32
            %parallel_loop3A_297 = arith.constant 2 : i32
            %parallel_loop3A_298 = arith.index_cast %parallel_loop3A_296 : i32 to index
            %parallel_loop3A_299 = arith.index_cast %parallel_loop3A_221 : i32 to index
            %parallel_loop3A_300 = arith.index_cast %parallel_loop3A_297 : i32 to index
            %parallel_loop3A_301 = arith.index_cast %parallel_loop3A_295 : i32 to index
            %parallel_loop3A_302 = tpu.vector_load %arg8[%parallel_loop3A_298, %parallel_loop3A_299, %parallel_loop3A_300, %parallel_loop3A_301] {strides = array<i32>} : memref<2x4x8x128xf32, #tpu.memory_space<vmem>>, vector<16xf32>,
            tpu.vector_store %arg8[%parallel_loop3A_298, %parallel_loop3A_299, %parallel_loop3A_300, %parallel_loop3A_301], %parallel_loop3A_293 {strides = array<i32>} : memref<2x4x8x128xf32, #tpu.memory_space<vmem>>, vector<16xf32>,
            %parallel_loop3A_303 = arith.constant 8 : i32
            %parallel_loop3A_304 = arith.muli %add3A_161, %parallel_loop3A_303 : i32
            %parallel_loop3A_305 = arith.constant 3 : i32
            %parallel_loop3A_306 = arith.addi %parallel_loop3A_304, %parallel_loop3A_305 : i32
            %parallel_loop3A_307 = arith.constant 1024 : i32
            %parallel_loop3A_308 = arith.muli %parallel_loop3A_306, %parallel_loop3A_307 : i32
            %parallel_loop3A_309 = vector.broadcast %parallel_loop3A_308 : i32 to vector<16xi32>
            %parallel_loop3A_310 = arith.addi %parallel_loop3A_248, %parallel_loop3A_309 : vector<16xi32>
            %parallel_loop3A_311 = tpu.vector_load_idx %arg9[%parallel_loop3A_310] : memref<65536xf32, #tpu.memory_space<vmem>>[vector<16xi32>], vector<16xf32>,
            %parallel_loop3A_312 = arith.constant 16 : i32
            %parallel_loop3A_313 = arith.muli %parallel_loop3A_237, %parallel_loop3A_312 : i32
            %parallel_loop3A_314 = arith.constant 1 : i32
            %parallel_loop3A_315 = arith.constant 3 : i32
            %parallel_loop3A_316 = arith.index_cast %parallel_loop3A_314 : i32 to index
            %parallel_loop3A_317 = arith.index_cast %parallel_loop3A_221 : i32 to index
            %parallel_loop3A_318 = arith.index_cast %parallel_loop3A_315 : i32 to index
            %parallel_loop3A_319 = arith.index_cast %parallel_loop3A_313 : i32 to index
            %parallel_loop3A_320 = tpu.vector_load %arg8[%parallel_loop3A_316, %parallel_loop3A_317, %parallel_loop3A_318, %parallel_loop3A_319] {strides = array<i32>} : memref<2x4x8x128xf32, #tpu.memory_space<vmem>>, vector<16xf32>,
            tpu.vector_store %arg8[%parallel_loop3A_316, %parallel_loop3A_317, %parallel_loop3A_318, %parallel_loop3A_319], %parallel_loop3A_311 {strides = array<i32>} : memref<2x4x8x128xf32, #tpu.memory_space<vmem>>, vector<16xf32>,
            %parallel_loop3A_321 = arith.constant 8 : i32
            %parallel_loop3A_322 = arith.muli %add3A_161, %parallel_loop3A_321 : i32
            %parallel_loop3A_323 = arith.constant 4 : i32
            %parallel_loop3A_324 = arith.addi %parallel_loop3A_322, %parallel_loop3A_323 : i32
            %parallel_loop3A_325 = arith.constant 1024 : i32
            %parallel_loop3A_326 = arith.muli %parallel_loop3A_324, %parallel_loop3A_325 : i32
            %parallel_loop3A_327 = vector.broadcast %parallel_loop3A_326 : i32 to vector<16xi32>
            %parallel_loop3A_328 = arith.addi %parallel_loop3A_248, %parallel_loop3A_327 : vector<16xi32>
            %parallel_loop3A_329 = tpu.vector_load_idx %arg9[%parallel_loop3A_328] : memref<65536xf32, #tpu.memory_space<vmem>>[vector<16xi32>], vector<16xf32>,
            %parallel_loop3A_330 = arith.constant 16 : i32
            %parallel_loop3A_331 = arith.muli %parallel_loop3A_237, %parallel_loop3A_330 : i32
            %parallel_loop3A_332 = arith.constant 1 : i32
            %parallel_loop3A_333 = arith.constant 4 : i32
            %parallel_loop3A_334 = arith.index_cast %parallel_loop3A_332 : i32 to index
            %parallel_loop3A_335 = arith.index_cast %parallel_loop3A_221 : i32 to index
            %parallel_loop3A_336 = arith.index_cast %parallel_loop3A_333 : i32 to index
            %parallel_loop3A_337 = arith.index_cast %parallel_loop3A_331 : i32 to index
            %parallel_loop3A_338 = tpu.vector_load %arg8[%parallel_loop3A_334, %parallel_loop3A_335, %parallel_loop3A_336, %parallel_loop3A_337] {strides = array<i32>} : memref<2x4x8x128xf32, #tpu.memory_space<vmem>>, vector<16xf32>,
            tpu.vector_store %arg8[%parallel_loop3A_334, %parallel_loop3A_335, %parallel_loop3A_336, %parallel_loop3A_337], %parallel_loop3A_329 {strides = array<i32>} : memref<2x4x8x128xf32, #tpu.memory_space<vmem>>, vector<16xf32>,
            %parallel_loop3A_339 = arith.constant 8 : i32
            %parallel_loop3A_340 = arith.muli %add3A_161, %parallel_loop3A_339 : i32
            %parallel_loop3A_341 = arith.constant 5 : i32
            %parallel_loop3A_342 = arith.addi %parallel_loop3A_340, %parallel_loop3A_341 : i32
            %parallel_loop3A_343 = arith.constant 1024 : i32
            %parallel_loop3A_344 = arith.muli %parallel_loop3A_342, %parallel_loop3A_343 : i32
            %parallel_loop3A_345 = vector.broadcast %parallel_loop3A_344 : i32 to vector<16xi32>
            %parallel_loop3A_346 = arith.addi %parallel_loop3A_248, %parallel_loop3A_345 : vector<16xi32>
            %parallel_loop3A_347 = tpu.vector_load_idx %arg9[%parallel_loop3A_346] : memref<65536xf32, #tpu.memory_space<vmem>>[vector<16xi32>], vector<16xf32>,
            %parallel_loop3A_348 = arith.constant 16 : i32
            %parallel_loop3A_349 = arith.muli %parallel_loop3A_237, %parallel_loop3A_348 : i32
            %parallel_loop3A_350 = arith.constant 1 : i32
            %parallel_loop3A_351 = arith.constant 5 : i32
            %parallel_loop3A_352 = arith.index_cast %parallel_loop3A_350 : i32 to index
            %parallel_loop3A_353 = arith.index_cast %parallel_loop3A_221 : i32 to index
            %parallel_loop3A_354 = arith.index_cast %parallel_loop3A_351 : i32 to index
            %parallel_loop3A_355 = arith.index_cast %parallel_loop3A_349 : i32 to index
            %parallel_loop3A_356 = tpu.vector_load %arg8[%parallel_loop3A_352, %parallel_loop3A_353, %parallel_loop3A_354, %parallel_loop3A_355] {strides = array<i32>} : memref<2x4x8x128xf32, #tpu.memory_space<vmem>>, vector<16xf32>,
            tpu.vector_store %arg8[%parallel_loop3A_352, %parallel_loop3A_353, %parallel_loop3A_354, %parallel_loop3A_355], %parallel_loop3A_347 {strides = array<i32>} : memref<2x4x8x128xf32, #tpu.memory_space<vmem>>, vector<16xf32>,
            %parallel_loop3A_357 = arith.constant 8 : i32
            %parallel_loop3A_358 = arith.muli %add3A_161, %parallel_loop3A_357 : i32
            %parallel_loop3A_359 = arith.constant 6 : i32
            %parallel_loop3A_360 = arith.addi %parallel_loop3A_358, %parallel_loop3A_359 : i32
            %parallel_loop3A_361 = arith.constant 1024 : i32
            %parallel_loop3A_362 = arith.muli %parallel_loop3A_360, %parallel_loop3A_361 : i32
            %parallel_loop3A_363 = vector.broadcast %parallel_loop3A_362 : i32 to vector<16xi32>
            %parallel_loop3A_364 = arith.addi %parallel_loop3A_248, %parallel_loop3A_363 : vector<16xi32>
            %parallel_loop3A_365 = tpu.vector_load_idx %arg9[%parallel_loop3A_364] : memref<65536xf32, #tpu.memory_space<vmem>>[vector<16xi32>], vector<16xf32>,
            %parallel_loop3A_366 = arith.constant 16 : i32
            %parallel_loop3A_367 = arith.muli %parallel_loop3A_237, %parallel_loop3A_366 : i32
            %parallel_loop3A_368 = arith.constant 1 : i32
            %parallel_loop3A_369 = arith.constant 6 : i32
            %parallel_loop3A_370 = arith.index_cast %parallel_loop3A_368 : i32 to index
            %parallel_loop3A_371 = arith.index_cast %parallel_loop3A_221 : i32 to index
            %parallel_loop3A_372 = arith.index_cast %parallel_loop3A_369 : i32 to index
            %parallel_loop3A_373 = arith.index_cast %parallel_loop3A_367 : i32 to index
            %parallel_loop3A_374 = tpu.vector_load %arg8[%parallel_loop3A_370, %parallel_loop3A_371, %parallel_loop3A_372, %parallel_loop3A_373] {strides = array<i32>} : memref<2x4x8x128xf32, #tpu.memory_space<vmem>>, vector<16xf32>,
            tpu.vector_store %arg8[%parallel_loop3A_370, %parallel_loop3A_371, %parallel_loop3A_372, %parallel_loop3A_373], %parallel_loop3A_365 {strides = array<i32>} : memref<2x4x8x128xf32, #tpu.memory_space<vmem>>, vector<16xf32>,
            %parallel_loop3A_375 = arith.constant 8 : i32
            %parallel_loop3A_376 = arith.muli %add3A_161, %parallel_loop3A_375 : i32
            %parallel_loop3A_377 = arith.constant 7 : i32
            %parallel_loop3A_378 = arith.addi %parallel_loop3A_376, %parallel_loop3A_377 : i32
            %parallel_loop3A_379 = arith.constant 1024 : i32
            %parallel_loop3A_380 = arith.muli %parallel_loop3A_378, %parallel_loop3A_379 : i32
            %parallel_loop3A_381 = vector.broadcast %parallel_loop3A_380 : i32 to vector<16xi32>
            %parallel_loop3A_382 = arith.addi %parallel_loop3A_248, %parallel_loop3A_381 : vector<16xi32>
            %parallel_loop3A_383 = tpu.vector_load_idx %arg9[%parallel_loop3A_382] : memref<65536xf32, #tpu.memory_space<vmem>>[vector<16xi32>], vector<16xf32>,
            %parallel_loop3A_384 = arith.constant 16 : i32
            %parallel_loop3A_385 = arith.muli %parallel_loop3A_237, %parallel_loop3A_384 : i32
            %parallel_loop3A_386 = arith.constant 1 : i32
            %parallel_loop3A_387 = arith.constant 7 : i32
            %parallel_loop3A_388 = arith.index_cast %parallel_loop3A_386 : i32 to index
            %parallel_loop3A_389 = arith.index_cast %parallel_loop3A_221 : i32 to index
            %parallel_loop3A_390 = arith.index_cast %parallel_loop3A_387 : i32 to index
            %parallel_loop3A_391 = arith.index_cast %parallel_loop3A_385 : i32 to index
            %parallel_loop3A_392 = tpu.vector_load %arg8[%parallel_loop3A_388, %parallel_loop3A_389, %parallel_loop3A_390, %parallel_loop3A_391] {strides = array<i32>} : memref<2x4x8x128xf32, #tpu.memory_space<vmem>>, vector<16xf32>,
            tpu.vector_store %arg8[%parallel_loop3A_388, %parallel_loop3A_389, %parallel_loop3A_390, %parallel_loop3A_391], %parallel_loop3A_383 {strides = array<i32>} : memref<2x4x8x128xf32, #tpu.memory_space<vmem>>, vector<16xf32>,
          } {sc.loop_unroll_factor = 8 : i64, sc.parallel_access}
          %mul3A_176 = arith.constant 4 : i32
          %mul3A_177 = arith.muli %add3A, %mul3A_176 : i32
          %dma_start3A_178 = arith.constant 1 : i32
          %dma_start3A_179 = arith.constant 0 : i32
          %dma_start3A_180 = arith.constant 0 : i32
          %dma_start3A_181 = arith.constant 0 : i32
          %dma_start3A_182 = tpu.memref_slice %arg8[%dma_start3A_178, %dma_start3A_179, %dma_start3A_180, %dma_start3A_181] : memref<2x4x8x128xf32, #tpu.memory_space<vmem>> -> memref<1x4x8x128xf32, #tpu.memory_space<vmem>>
          %dma_start3A_183 = tpu.memref_squeeze %dma_start3A_182 : memref<1x4x8x128xf32, #tpu.memory_space<vmem>> -> memref<4x8x128xf32, #tpu.memory_space<vmem>>
          %dma_start3A_184 = arith.constant 0 : i32
          %dma_start3A_185 = arith.constant 0 : i32
          %dma_start3A_186 = tpu.memref_slice %arg5[%add3A_112, %add3A_161, %mul3A_177, %dma_start3A_184, %dma_start3A_185] : memref<200x8x128x8x128xf32, #tpu.memory_space<hbm>> -> memref<1x1x4x8x128xf32, #tpu.memory_space<hbm>>
          %dma_start3A_187 = tpu.memref_squeeze %dma_start3A_186 : memref<1x1x4x8x128xf32, #tpu.memory_space<hbm>> -> memref<4x8x128xf32, #tpu.memory_space<hbm>>
          %dma_start3A_188 = arith.constant 0 : i32
          %dma_start3A_189 = arith.constant 0 : i32
          %dma_start3A_190 = tpu.memref_slice %arg5[%add3A_112, %add3A_161, %mul3A_177, %dma_start3A_188, %dma_start3A_189] : memref<200x8x128x8x128xf32, #tpu.memory_space<hbm>> -> memref<1x1x4x8x128xf32, #tpu.memory_space<hbm>>
          %dma_start3A_191 = tpu.memref_squeeze %dma_start3A_190 : memref<1x1x4x8x128xf32, #tpu.memory_space<hbm>> -> memref<4x8x128xf32, #tpu.memory_space<hbm>>
          %dma_start3A_192 = arith.constant 0 : i32
          %dma_start3A_193 = arith.constant 0 : i32
          %dma_start3A_194 = arith.constant 0 : i32
          %dma_start3A_195 = tpu.memref_slice %arg8[%dma_start3A_178, %dma_start3A_192, %dma_start3A_193, %dma_start3A_194] : memref<2x4x8x128xf32, #tpu.memory_space<vmem>> -> memref<1x4x8x128xf32, #tpu.memory_space<vmem>>
          %dma_start3A_196 = tpu.memref_squeeze %dma_start3A_195 : memref<1x4x8x128xf32, #tpu.memory_space<vmem>> -> memref<4x8x128xf32, #tpu.memory_space<vmem>>
          tpu.enqueue_dma source(%dma_start3A_196 : memref<4x8x128xf32, #tpu.memory_space<vmem>>) target(%dma_start3A_191 : memref<4x8x128xf32, #tpu.memory_space<hbm>>) target_semaphore(%arg12 : memref<!tpu.dma_semaphore, #tpu.memory_space<semaphore_mem>>)
        }
        %scan3A_118 = arith.constant 4 : i32
      }
      %scan3A_108 = arith.constant 8 : i32
    }
    %scan3A_26 = arith.constant 25 : i32
    %mul3A_27 = arith.constant 4 : i32
    %mul3A_28 = arith.muli %add3A, %mul3A_27 : i32
    %dma_wait3A = arith.constant 0 : i32
    %dma_wait3A_29 = arith.constant 199 : i32
    %dma_wait3A_30 = arith.constant 6 : i32
    %dma_wait3A_31 = arith.constant 0 : i32
    %dma_wait3A_32 = arith.constant 0 : i32
    %dma_wait3A_33 = arith.constant 0 : i32
    %dma_wait3A_34 = tpu.memref_slice %arg8[%dma_wait3A, %dma_wait3A_31, %dma_wait3A_32, %dma_wait3A_33] : memref<2x4x8x128xf32, #tpu.memory_space<vmem>> -> memref<1x4x8x128xf32, #tpu.memory_space<vmem>>
    %dma_wait3A_35 = tpu.memref_squeeze %dma_wait3A_34 : memref<1x4x8x128xf32, #tpu.memory_space<vmem>> -> memref<4x8x128xf32, #tpu.memory_space<vmem>>
    %dma_wait3A_36 = arith.constant 0 : i32
    %dma_wait3A_37 = arith.constant 0 : i32
    %dma_wait3A_38 = tpu.memref_slice %arg5[%dma_wait3A_29, %dma_wait3A_30, %mul3A_28, %dma_wait3A_36, %dma_wait3A_37] : memref<200x8x128x8x128xf32, #tpu.memory_space<hbm>> -> memref<1x1x4x8x128xf32, #tpu.memory_space<hbm>>
    %dma_wait3A_39 = tpu.memref_squeeze %dma_wait3A_38 : memref<1x1x4x8x128xf32, #tpu.memory_space<hbm>> -> memref<4x8x128xf32, #tpu.memory_space<hbm>>
    %dma_wait3A_40 = arith.constant 0 : i32
    %dma_wait3A_41 = arith.constant 0 : i32
    %dma_wait3A_42 = tpu.memref_slice %arg5[%dma_wait3A_29, %dma_wait3A_30, %mul3A_28, %dma_wait3A_40, %dma_wait3A_41] : memref<200x8x128x8x128xf32, #tpu.memory_space<hbm>> -> memref<1x1x4x8x128xf32, #tpu.memory_space<hbm>>
    %dma_wait3A_43 = tpu.memref_squeeze %dma_wait3A_42 : memref<1x1x4x8x128xf32, #tpu.memory_space<hbm>> -> memref<4x8x128xf32, #tpu.memory_space<hbm>>
    %dma_wait3A_44 = arith.constant 0 : i32
    %dma_wait3A_45 = arith.constant 0 : i32
    %dma_wait3A_46 = arith.constant 0 : i32
    %dma_wait3A_47 = tpu.memref_slice %arg8[%dma_wait3A, %dma_wait3A_44, %dma_wait3A_45, %dma_wait3A_46] : memref<2x4x8x128xf32, #tpu.memory_space<vmem>> -> memref<1x4x8x128xf32, #tpu.memory_space<vmem>>
    %dma_wait3A_48 = tpu.memref_squeeze %dma_wait3A_47 : memref<1x4x8x128xf32, #tpu.memory_space<vmem>> -> memref<4x8x128xf32, #tpu.memory_space<vmem>>
    tpu.wait_dma2 semaphore(%arg11 : memref<!tpu.dma_semaphore, #tpu.memory_space<semaphore_mem>>) src(%dma_wait3A_48 : memref<4x8x128xf32, #tpu.memory_space<vmem>>) dst(%dma_wait3A_43 : memref<4x8x128xf32, #tpu.memory_space<hbm>>)
    %mul3A_49 = arith.constant 4 : i32
    %mul3A_50 = arith.muli %add3A, %mul3A_49 : i32
    %dma_wait3A_51 = arith.constant 1 : i32
    %dma_wait3A_52 = arith.constant 199 : i32
    %dma_wait3A_53 = arith.constant 7 : i32
    %dma_wait3A_54 = arith.constant 0 : i32
    %dma_wait3A_55 = arith.constant 0 : i32
    %dma_wait3A_56 = arith.constant 0 : i32
    %dma_wait3A_57 = tpu.memref_slice %arg8[%dma_wait3A_51, %dma_wait3A_54, %dma_wait3A_55, %dma_wait3A_56] : memref<2x4x8x128xf32, #tpu.memory_space<vmem>> -> memref<1x4x8x128xf32, #tpu.memory_space<vmem>>
    %dma_wait3A_58 = tpu.memref_squeeze %dma_wait3A_57 : memref<1x4x8x128xf32, #tpu.memory_space<vmem>> -> memref<4x8x128xf32, #tpu.memory_space<vmem>>
    %dma_wait3A_59 = arith.constant 0 : i32
    %dma_wait3A_60 = arith.constant 0 : i32
    %dma_wait3A_61 = tpu.memref_slice %arg5[%dma_wait3A_52, %dma_wait3A_53, %mul3A_50, %dma_wait3A_59, %dma_wait3A_60] : memref<200x8x128x8x128xf32, #tpu.memory_space<hbm>> -> memref<1x1x4x8x128xf32, #tpu.memory_space<hbm>>
    %dma_wait3A_62 = tpu.memref_squeeze %dma_wait3A_61 : memref<1x1x4x8x128xf32, #tpu.memory_space<hbm>> -> memref<4x8x128xf32, #tpu.memory_space<hbm>>
    %dma_wait3A_63 = arith.constant 0 : i32
    %dma_wait3A_64 = arith.constant 0 : i32
    %dma_wait3A_65 = tpu.memref_slice %arg5[%dma_wait3A_52, %dma_wait3A_53, %mul3A_50, %dma_wait3A_63, %dma_wait3A_64] : memref<200x8x128x8x128xf32, #tpu.memory_space<hbm>> -> memref<1x1x4x8x128xf32, #tpu.memory_space<hbm>>
    %dma_wait3A_66 = tpu.memref_squeeze %dma_wait3A_65 : memref<1x1x4x8x128xf32, #tpu.memory_space<hbm>> -> memref<4x8x128xf32, #tpu.memory_space<hbm>>
    %dma_wait3A_67 = arith.constant 0 : i32
    %dma_wait3A_68 = arith.constant 0 : i32
    %dma_wait3A_69 = arith.constant 0 : i32
    %dma_wait3A_70 = tpu.memref_slice %arg8[%dma_wait3A_51, %dma_wait3A_67, %dma_wait3A_68, %dma_wait3A_69] : memref<2x4x8x128xf32, #tpu.memory_space<vmem>> -> memref<1x4x8x128xf32, #tpu.memory_space<vmem>>
    %dma_wait3A_71 = tpu.memref_squeeze %dma_wait3A_70 : memref<1x4x8x128xf32, #tpu.memory_space<vmem>> -> memref<4x8x128xf32, #tpu.memory_space<vmem>>
    tpu.wait_dma2 semaphore(%arg12 : memref<!tpu.dma_semaphore, #tpu.memory_space<semaphore_mem>>) src(%dma_wait3A_71 : memref<4x8x128xf32, #tpu.memory_space<vmem>>) dst(%dma_wait3A_66 : memref<4x8x128xf32, #tpu.memory_space<hbm>>)
    return
  }
}

</mosaic_0001>

<sc_bundles>
// kernel: kernel.3.cloned.1.call-start
scs
__scs_entry_jumppad:
0x0: {  	(pc) =	sbr.rel $0x88, $3  }
0x1: {  	(tag) =	ssettag $0x0;
	lr =	simm.s32 $0x1  }
0x2: {  	[smem:$0x3F9E] =	sst lr;
	_ =	strace $0xD0000000  }
0x3: {  	_ = 	snop  }
0x4: {  	_ = 	snop  }
0x5: {  	_ = 	snop  }
0x6: {  	_ = 	snop  }
0x7: {  	_ = 	snop  }
__scs_overlays_trampoline_lowered:
0x8: {  	[smem:$0x3FAD] =	sst s0  }
0x9: {  	[smem:$0x3FAE] =	sst s1  }
0xa: {  	[smem:$0x3FAF] =	sst s2  }
0xb: {  	[smem:$0x3FB0] =	sst s3  }
0xc: {  	[smem:$0x3FB1] =	sst s4  }
0xd: {  	[smem:$0x3FB2] =	sst s5  }
0xe: {  	[smem:$0x3FB3] =	sst s6  }
0xf: {  	[smem:$0x3FB4] =	sst s7  }
0x10: {  	[smem:$0x3FB5] =	sst s8  }
0x11: {  	[smem:$0x3FB6] =	sst s9;
	s0 =	simm.s32 @!p0 $0x0  }
0x12: {  	s1 =	sld [smem:$0x3F9C];
	s0 =	simm.s32 @p0 $0x1  }
0x13: {  	[smem:$0x3FB7] =	sst s0;
	s0 =	simm.s32 @!p1 $0x0  }
0x14: {  	s2 =	sld [smem:$0x3F9B];
	s0 =	simm.s32 @p1 $0x1  }
0x15: {  	[smem:$0x3FB8] =	sst s0;
	s0 =	simm.s32 @!p2 $0x0  }
0x16: {  	s3 =	sld [smem:$0x3FDB];
	s0 =	simm.s32 @p2 $0x1  }
0x17: {  	s4 =	simm.s32 $0x1BF5;
	[smem:$0x3FBA] =	sst s0  }
0x18: {  	s0 =	sld [smem:$0x3F9D];
	_ =	swait.ge [sflag:s4], $0x0  }
0x19: {  	s7 =	sld [smem:$0x3F9E]  }
0x1a: {  	s8 =	sadd.s32 $0xFFFFE003, lr  }
0x1b: {  	s9 =	sadd.s32 $0xFFFFFEF7, lr;
	s5 =	simm.s32 $0xFFFFFFFF;
	p2 =	slt.u32 s8, $0xFFFFF086  }
0x1c: {  	p1 =	slt.u32 s9, $0xF7A;
	s5 =	simm.s32 @!p2 $0x0  }
0x1d: {  	s5 =	simm.s32 @p1 $0x1;
	p0 =	seq.s32 s7, s2  }
0x1e: {  	s7 =	smul.u32 @!p0 $0xF7A, s2;
	p2 =	seq.s32 @!p0 s5, $0x0  }
0x1f: {  	s9 =	smul.u32 $0xF7A, s1;
	s8 =	simm.s32 @!p0 $0x1BF5;
	p2 =	por !p2, p0  }
0x20: {  	[sflag:s8] =	ssyncset.s32 @!p0 $0xFFFFF086;
	s6 =	sadd.s32 @!p0 s3, s7;
	s7 =	simm.s32 @!p0 $0x108  }
0x21: {  	s3 =	sadd.s32 s3, s9;
	s6 =	sadd.s32 @!p0 $0x88, s6;
	s7 =	simm.s32 @p2 $0x1082  }
0x22: {  	[simem:s7], [sflag:s8] =	dma.local @!p0 [hbm:s6], $0xF7A  }
0x23: {  	s9 =	sor.u32 $0xD0000000, s2;
	s6 =	simm.s32 $0x108;
	_ =	swait.ge @!p0 [sflag:s8], $0x0  }
0x24: {  	s3 =	sadd.s32 $0x88, s3;
	s6 =	simm.s32 @!p1 $0x1082;
	[sflag:s4] =	ssyncset.s32 $0xFFFFF086  }
0x25: {  	[simem:s6], [sflag:s4] =	dma.local [hbm:s3], $0xF7A  }
0x26: {  	[smem:$0x3F9E] =	sst s1;
	(tag) =	ssettag s2;
	_ =	strace s9  }
0x27: {  	s1 =	sld [smem:$0x3FAE]  }
0x28: {  	s2 =	sld [smem:$0x3FAF]  }
0x29: {  	s4 =	sld [smem:$0x3FB1]  }
0x2a: {  	p0 =	seq.s32 s5, $0x0;
	s5 =	sld [smem:$0x3FB2]  }
0x2b: {  	s6 =	sld [smem:$0x3FB3]  }
0x2c: {  	s7 =	sld [smem:$0x3FB4]  }
0x2d: {  	s3 =	simm.s32 $0x108;
	s8 =	sld [smem:$0x3FB5]  }
0x2e: {  	s3 =	simm.s32 @!p0 $0x1082;
	s9 =	sld [smem:$0x3FB6]  }
0x2f: {  	lr =	sadd.s32 s0, s3;
	s0 =	sld [smem:$0x3FAD]  }
0x30: {  	s3 =	sld [smem:$0x3FB0]  }
0x31: {  	[smem:$0x3FB9] =	sst s10  }
0x32: {  	s10 =	sld [smem:$0x3FB7];
	_ =	sdelay $0x3  }
0x33: {  	p0 =	seq.s32 s10, $0x1;
	s10 =	sld [smem:$0x3FB9];
	_ =	sdelay $0x3  }
0x34: {  	[smem:$0x3FB9] =	sst s10  }
0x35: {  	s10 =	sld [smem:$0x3FB8];
	_ =	sdelay $0x3  }
0x36: {  	p1 =	seq.s32 s10, $0x1;
	s10 =	sld [smem:$0x3FB9];
	_ =	sdelay $0x3  }
0x37: {  	[smem:$0x3FB9] =	sst s10  }
0x38: {  	s10 =	sld [smem:$0x3FBA]  }
0x39: {  	_ = 	snop;
	(pc) =	sbr.ind lr, $3  }
0x3a: {  	_ = 	snop  }
0x3b: {  	_ = 	snop  }
0x3c: {  	p2 =	seq.s32 s10, $0x1;
	s10 =	sld [smem:$0x3FB9]  }
0x3d: {  	_ =	shalt  }
0x3e: {  	_ =	shalt  }
0x3f: {  	_ =	shalt  }
0x40: {  	_ =	shalt  }
0x41: {  	_ =	shalt  }
0x42: {  	_ =	shalt  }
0x43: {  	_ =	shalt  }
0x44: {  	_ =	shalt  }
0x45: {  	_ =	shalt  }
0x46: {  	_ =	shalt  }
0x47: {  	_ =	shalt  }
0x48: {  	_ =	shalt  }
0x49: {  	_ =	shalt  }
0x4a: {  	_ =	shalt  }
0x4b: {  	_ =	shalt  }
0x4c: {  	_ =	shalt  }
0x4d: {  	_ =	shalt  }
0x4e: {  	_ =	shalt  }
0x4f: {  	_ =	shalt  }
0x50: {  	_ =	shalt  }
0x51: {  	_ =	shalt  }
0x52: {  	_ =	shalt  }
0x53: {  	_ =	shalt  }
0x54: {  	_ =	shalt  }
0x55: {  	_ =	shalt  }
0x56: {  	_ =	shalt  }
0x57: {  	_ =	shalt  }
0x58: {  	_ =	shalt  }
0x59: {  	_ =	shalt  }
0x5a: {  	_ =	shalt  }
0x5b: {  	_ =	shalt  }
0x5c: {  	_ =	shalt  }
0x5d: {  	_ =	shalt  }
0x5e: {  	_ =	shalt  }
0x5f: {  	_ =	shalt  }
0x60: {  	_ =	shalt  }
0x61: {  	_ =	shalt  }
0x62: {  	_ =	shalt  }
0x63: {  	_ =	shalt  }
0x64: {  	_ =	shalt  }
0x65: {  	_ =	shalt  }
0x66: {  	_ =	shalt  }
0x67: {  	_ =	shalt  }
0x68: {  	_ =	shalt  }
0x69: {  	_ =	shalt  }
0x6a: {  	_ =	shalt  }
0x6b: {  	_ =	shalt  }
0x6c: {  	_ =	shalt  }
0x6d: {  	_ =	shalt  }
0x6e: {  	_ =	shalt  }
0x6f: {  	_ =	shalt  }
0x70: {  	_ =	shalt  }
0x71: {  	_ =	shalt  }
0x72: {  	_ =	shalt  }
0x73: {  	_ =	shalt  }
0x74: {  	_ =	shalt  }
0x75: {  	_ =	shalt  }
0x76: {  	_ =	shalt  }
0x77: {  	_ =	shalt  }
0x78: {  	_ =	shalt  }
0x79: {  	_ =	shalt  }
0x7a: {  	_ =	shalt  }
0x7b: {  	_ =	shalt  }
0x7c: {  	_ =	shalt  }
0x7d: {  	_ =	shalt  }
0x7e: {  	_ =	shalt  }
0x7f: {  	_ =	shalt  }
0x80: {  	_ =	shalt  }
0x81: {  	_ =	shalt  }
0x82: {  	_ =	shalt  }
0x83: {  	_ =	shalt  }
0x84: {  	_ =	shalt  }
0x85: {  	_ =	shalt  }
0x86: {  	_ =	shalt  }
0x87: {  	_ =	shalt  }
.Lfunc_end0:
.L_simem_size_0:
called_computation_lowered:
.L_overlay_start_0:
0x88: {  	s2 =	sld [smem:$0x3FD9]  }
0x89: {  	s3 =	sld [smem:$0x3FFE];
	_ =	sdelay $0x1  }
0x8a: {  	s1 =	srdreg.scid  }
0x8b: {  	s0 =	sand.u32 $0x1, s1  }
0x8c: {  	s17 =	sshll.u32 s0, $0xA;
	s2 =	sadd.s32 s3, s2  }
0x8d: {  	s2 =	sadd.s32 s2, s17  }
0x8e: {  	[smem:$0x3FC5] =	sst s2  }
0x8f: {  	_ = 	snop  }
0x90: {  	s2 =	sld [smem:$0x3FC9]  }
0x91: {  	s18 =	sld [smem:$0x3FC8]  }
0x92: {  	s4 =	sld [smem:$0x3FD0];
	(tm) =	ssettm $0x1  }
0x93: {  	s5 =	sld [smem:$0x3FFB];
	_ =	sdelay $0x3  }
0x94: {  	_ =	strace s5  }
0x95: {  	s5 =	sld [smem:$0x3FFC];
	_ =	sdelay $0x3  }
0x96: {  	_ =	strace s5  }
0x97: {  	s5 =	sld [smem:$0x3FFD];
	_ =	sdelay $0x3  }
0x98: {  	_ =	strace s5  }
0x99: {  	_ =	strace $0x8FFFFFFF  }
0x9a: {  	s19 =	sld [smem:$0x3FDB];
	_ =	sdelay $0x1  }
0x9b: {  	s6 =	simm.s32 $_scs_section_size  }
0x9c: {  	s7 =	simm.s32 $_size__tile_overlayer_lowered;
	s8 =	simm.s32 $_tile_overlayer_lowered  }
0x9d: {  	s22 =	simm.s32 $0x1BFF;
	s21 =	sshll.u32 s8, $0x1;
	s5 =	sadd.s32 s6, s19  }
0x9e: {  	s9 =	simm.s32 $0x0;
	s20 =	sshll.u32 s7, $0x1;
	s7 =	sadd.s32 s21, s5  }
0x9f: {  	[timem:s9], [sflag:s22] =	dma.local [hbm:s7], s20  }
0xa0: {  	_ =	swait.ge [sflag:s22], s20  }
0xa1: {  	s6 =	ssub.s32 $0x0, s20;
	[sflag:s22] =	ssyncset.done $0x0  }
0xa2: {  	[sflag:s22] =	ssyncadd.s32 s6;
	_ =	sdelay $0x1  }
0xa3: {  	s23 =	simm.s32 $0x1B8B  }
0xa4: {  	_ =	swait.ge [sflag:s23], $0x1  }
0xa5: {  	[sflag:s23] =	ssyncset.done $0x0  }
0xa6: {  	s25 =	simm.s32 $0x1B8E;
	s24 =	sld [smem:$0x3FFE];
	[sflag:s23] =	ssyncadd.s32 $0xFFFFFFFF  }
0xa7: {  	s26 =	simm.s32 $execute0_lowered;
	[smem:$0x3FD2] =	sst s25  }
0xa8: {  	s7 =	sshll.u32 s26, $0x1;
	_ =	strace $0x80000046;
	[dreg:$0x1] =	wrdreg $0xFFFFFFFF  }
0xa9: {  	s28 =	simm.s32 $_size_execute0_lowered;
	s5 =	sadd.s32 s5, s7;
	[dreg:$0x0] =	wrdreg $0x0  }
0xaa: {  	s7 =	sshll.u32 s28, $0x1;
	[dreg:$0x2] =	wrdreg s5  }
0xab: {  	[dreg:$0x3] =	wrdreg s7  }
0xac: {  	[dreg:$0x4] =	wrdreg $0xC0  }
0xad: {  	_ =	task [dreg:s9], $0x5FFFF  }
0xae: {  	[dreg:$0x1] =	wrdreg $0xFFFFFFFF  }
0xaf: {  	[dreg:$0x0] =	wrdreg $0x60  }
0xb0: {  	[dreg:$0x2] =	wrdreg s2  }
0xb1: {  	[dreg:$0x3] =	wrdreg s18  }
0xb2: {  	[dreg:$0x4] =	wrdreg s24  }
0xb3: {  	[dreg:$0x5] =	wrdreg s4  }
0xb4: {  	[dreg:$0x6] =	wrdreg $0x9  }
0xb5: {  	_ =	task.clear_ibuf [dreg:s9], $0x7FFFF;
	_ =	strace $0x90000046  }
0xb6: {  	s29 =	simm.s32 $0x9;
	_ =	strace $0x80000048  }
0xb7: {  	_ =	swait.ge [sflag:s29], $0x1  }
0xb8: {  	[sflag:s29] =	ssyncadd.s32 $0xFFFFFFFF  }
0xb9: {  	_ =	strace $0x90000048  }
0xba: {  	_ =	sfence  }
0xbb: {  	s30 =	sld [smem:$0x0];
	_ =	sdelay $0x2  }
0xbc: {  	s31 =	sshll.u32 s1, $0xD;
	s1 =	sshrl.u32 s1, $0x2  }
0xbd: {  	s3 =	sand.u32 $0x4000, s31;
	s1 =	sadd.s32 s1, s30  }
0xbe: {  	s0 =	sor.u32 s3, s0;
	s1 =	sshll.u32 s1, $0x11  }
0xbf: {  	s0 =	sor.u32 s1, s0  }
0xc0: {  	s0 =	sadd.s32 $0x8F2B, s0  }
0xc1: {  	[sflag:s0] =	ssyncadd.remote.s32 $0x1  }
0xc2: {  	_ =	sfence.sel $0xFFFF  }
0xc3: {  	[dreg:$0x0] =	wrdreg $0xFFFFFFFF;
	(pc) =	sbr.abs _section_cstart, $3  }
0xc4: {  	[dreg:$0x1] =	wrdreg $0xFFFFFFFF  }
0xc5: {  	_ =	task.clear_ibuf [dreg:s9], $0x2FFFF;
	_ =	strace $0x9FFFFFFF  }
0xc6: {  	(tm) =	ssettm $0x7FFFFFFF  }
0xc7: {  	_ =	shalt  }
tec
execute0_lowered:
.L_overlay_start_1:
0x0: {  	(tag) =	ssettag $0x1  }
0x1: {  	s1 =	rddreg [dreg:$0x0]  }
0x2: {  	s2 =	rddreg [dreg:$0x1]  }
0x3: {  	s0 =	rddreg [dreg:$0x2]  }
0x4: {  	s4 =	rddreg [dreg:$0x3]  }
0x5: {  	s3 =	srdreg.scid;
	s6 =	stileid.u32  }
0x6: {  	s5 =	simm.s32 $0x0;
	s12 =	simm.s32 $0x6000;
	s13 =	simm.s32 $0x4  }
0x7: {  	s15 =	simm.s32 $0x1;
	s16 =	simm.s32 $0x4000;
	s17 =	simm.s32 $0x5000  }
0x8: {  	s18 =	simm.s32 $0x2;
	s19 =	simm.s32 $0x3;
	s20 =	simm.s32 $0x0  }
0x9: {  	s3 =	sand.u32 $0x1, s3;
	s6 =	sshll.u32 s6, $0x1;
	[smem:$0x7FF] =	sst s5  }
0xa: {  	s0 =	sadd.s32 $0x400, s0;
	s7 =	ssub.s32 $0x2, s3;
	s3 =	sor.u32 s3, s6  }
0xb: {  	_ =	strace $0x80000047;
	[dreg:$0x5] =	wrdreg s0;
	s8 =	sshrl.u32 s7, $0x1  }
0xc: {  	s6 =	sshll.u32 s3, $0x9;
	s10 =	sshll.u32 s3, $0xC;
	s31 =	ssub.s32 s7, s8  }
0xd: {  	s8 =	sadd.s32 s1, s6;
	s9 =	sadd.s32 s2, s6;
	s11 =	smax.u32 s31, $0x1  }
.LBB2_1:
0xe: {  	s0 =	rddreg [dreg:$0x5]  }
0xf: {  	[tilespmem:s12], [sflag:$0x4] =	stream.linear.gather [hbm4b:s0+s5], $0x10000, $0x38;
	[tilespmem:$0x16000] =	vst v63  }
0x10: {  	_ =	swait.ge [sflag:s13], $0x10000  }
0x11: {  	[sflag:s13] =	ssyncset.done $0x0  }
0x12: {  	[sflag:s13] =	ssyncadd.s32 $0xFFFF0000  }
0x13: {  	[tilespmem:s5], [sflag:$0x1] =	stream.linear.gather [hbm4b:s8+s5], $0x1000, $0x38;
	[tilespmem:$0x16000] =	vst v63  }
0x14: {  	s31 =	simm.s32 $0x2000;
	p0 =	por $0x0, $0x0;
	s21 =	simm.s32 $0x0  }
0x15: {  	[tilespmem:s31], [sflag:$0x1] =	stream.linear.gather [hbm4b:s9+s5], $0x1000, $0x38;
	[tilespmem:$0x16000] =	vst v63  }
.LBB2_3:
0x16: {  	_ =	swait.ge [sflag:s15], $0x1000  }
0x17: {  	s0 =	smov.u32 s21;
	s3 =	simm.s32 $0x1;
	s21 =	sadd.s32 $0x1, s21  }
0x18: {  	[sflag:s15] =	ssyncset.done $0x0;
	p1 =	sne.s32 s0, $0x18;
	s7 =	sshll.u32 s0, $0xC  }
0x19: {  	s3 =	simm.s32 @!p0 $0x0;
	[sflag:s15] =	ssyncadd.s32 $0xFFFFF000;
	s14 =	sshll.u32 @p1 s21, $0xE  }
0x1a: {  	s7 =	sand.u32 $0x1000, s7;
	s24 =	simm.s32 @p1 $0x0;
	_ =	swait.ge [sflag:s15], $0x1000  }
0x1b: {  	s3 =	sshll.u32 s3, $0xC;
	s14 =	sor.u32 @p1 s6, s14;
	[sflag:s15] =	ssyncset.done $0x0  }
0x1c: {  	s22 =	ssub.s32 @p1 $0x1000, s7;
	s23 =	sadd.s32 @p1 s1, s14;
	[sflag:s15] =	ssyncadd.s32 $0xFFFFF000  }
0x1d: {  	[tilespmem:s22], [sflag:$0x1] =	stream.linear.gather @p1 [hbm4b:s23+s24], $0x1000, $0x38;
	[tilespmem:$0x16000] =	vst v63  }
0x1e: {  	s7 =	ssub.s32 @p1 $0x3000, s7;
	s31 =	sor.u32 $0x20, s3;
	s14 =	sadd.s32 @p1 s2, s14  }
0x1f: {  	[tilespmem:s7], [sflag:$0x1] =	stream.linear.gather @p1 [hbm4b:s14+s24], $0x1000, $0x38;
	[tilespmem:$0x16000] =	vst v63  }
0x20: {  	v0 =	vld [tilespmem:s31+$0x10]  }
0x21: {  	v1 =	vld [tilespmem:s31+$0xFFFFFFF0]  }
0x22: {  	v2 =	vld [tilespmem:s31+$0x0]  }
0x23: {  	v3 =	vld [tilespmem:s31+$0xFFFFFFE0];
	_ =	sdelay $0x1  }
0x24: {  	s22 =	sor.u32 $0x2040, s3;
	s3 =	sor.u32 $0x2020, s3;
	v0 =	vmax.f32 v0, $0.0e+00  }
0x25: {  	v5 =	vld [tilespmem:s3+$0x10];
	v1 =	vmax.f32 v1, $0.0e+00;
	v0 =	vmin.f32 v0, $1.000000000e+00  }
0x26: {  	v2 =	vmax.f32 v2, $0.0e+00;
	v1 =	vmin.f32 v1, $1.000000000e+00;
	v4 =	vmul.f32 $1.000000000e+03, v0  }
0x27: {  	v3 =	vmax.f32 v3, $0.0e+00;
	v2 =	vmin.f32 v2, $1.000000000e+00;
	v1 =	vmul.f32 $1.000000000e+03, v1  }
0x28: {  	v3 =	vmin.f32 v3, $1.000000000e+00;
	v0 =	vld [tilespmem:s3+$0xFFFFFFE0];
	v2 =	vmul.f32 $1.000000000e+03, v2;
	v4 =	vtrunc.f32 v4  }
0x29: {  	v3 =	vmul.f32 $1.000000000e+03, v3;
	v4 =	vcvt.f32.s32 v4  }
0x2a: {  	vm0 =	veq.s32 v5, $0x0;
	v1 =	vtrunc.f32 v1;
	v6 =	vtrunc.f32 v2;
	v2 =	vld [tilespmem:s3+$0xFFFFFFF0]  }
0x2b: {  	v3 =	vtrunc.f32 v3;
	v7 =	vadd.s32 $0x3, v4;
	v4 =	vcvt.f32.s32 v1;
	v1 =	vld [tilespmem:s3+$0x0]  }
0x2c: {  	v3 =	vcvt.f32.s32 v3;
	v5 =	vsel vm0, v7, v5  }
0x2d: {  	s23 =	sadd.s32 $0x40, s31;
	s14 =	simm.s32 $0x0;
	s7 =	smov.u32 s3;
	v6 =	vcvt.f32.s32 v6;
	vm0 =	veq.s32 v0, $0x0;
	vm1 =	vgt.s32 v5, $0x0  }
.LBB2_4:
0x2e: {  	v7 =	vld [tilespmem:s23+$0x10];
	s14 =	sadd.s32 $0x4, s14;
	v3 =	vadd.s32 $0x3, v3;
	v4 =	vadd.s32 $0x3, v4;
	v5 =	vnsel vm1, $0x0, v5  }
0x2f: {  	vm1 =	veq.s32 v2, $0x0;
	v8 =	vld [tilespmem:s23+$0xFFFFFFF0];
	p1 =	slt.u32 s14, $0xFC;
	v6 =	vadd.s32 $0x3, v6;
	v5 =	vmin.u32 v5, $0x3EA  }
0x30: {  	v0 =	vsel vm0, v3, v0;
	v2 =	vsel vm1, v4, v2;
	vm0 =	veq.s32 v1, $0x0;
	v9 =	vld [tilespmem:s23+$0x0];
	[tilespmem:s3+$0x10] =	vst v5  }
0x31: {  	vm1 =	vgt.s32 v0, $0x0;
	vm2 =	vgt.s32 v2, $0x0;
	v1 =	vsel vm0, v6, v1;
	v3 =	vld [tilespmem:s23+$0xFFFFFFE0]  }
0x32: {  	v0 =	vnsel vm1, $0x0, v0;
	v2 =	vnsel vm2, $0x0, v2;
	vm0 =	vgt.s32 v1, $0x0  }
0x33: {  	v0 =	vmin.u32 v0, $0x3EA;
	v5 =	vnsel vm0, $0x0, v1;
	v4 =	vmax.f32 v7, $0.0e+00  }
0x34: {  	s3 =	sadd.s32 $0x40, s3;
	v1 =	vmax.f32 v8, $0.0e+00;
	v4 =	vmin.f32 v4, $1.000000000e+00;
	[tilespmem:s7+$0xFFFFFFE0] =	vst v0;
	v0 =	vmin.u32 v2, $0x3EA  }
0x35: {  	v1 =	vmin.f32 v1, $1.000000000e+00;
	v2 =	vmax.f32 v9, $0.0e+00;
	v6 =	vld [tilespmem:s3+$0x10];
	v4 =	vmul.f32 $1.000000000e+03, v4;
	[tilespmem:s7+$0xFFFFFFF0] =	vst v0  }
0x36: {  	v0 =	vld [tilespmem:s3+$0xFFFFFFE0];
	v3 =	vmax.f32 v3, $0.0e+00;
	v7 =	vmul.f32 $1.000000000e+03, v1;
	v1 =	vmin.f32 v2, $1.000000000e+00  }
0x37: {  	v3 =	vmin.f32 v3, $1.000000000e+00;
	v2 =	vld [tilespmem:s3+$0xFFFFFFF0];
	v8 =	vmul.f32 $1.000000000e+03, v1;
	v4 =	vtrunc.f32 v4  }
.Ltmp0:
0x38: {  	v5 =	vmin.u32 v5, $0x3EA;
	v3 =	vmul.f32 $1.000000000e+03, v3;
	v1 =	vld [tilespmem:s3+$0x0];
	v4 =	vcvt.f32.s32 v4;
	(pc) =	sbr.rel @p1 .LBB2_4-.Ltmp0, $4  }
0x39: {  	v7 =	vtrunc.f32 v7;
	v8 =	vtrunc.f32 v8;
	[tilespmem:s7+$0x0] =	vst v5;
	s7 =	smov.u32 s3  }
0x3a: {  	v3 =	vtrunc.f32 v3;
	v5 =	vadd.s32 $0x3, v4;
	vm0 =	veq.s32 v6, $0x0  }
0x3b: {  	v4 =	vcvt.f32.s32 v7;
	v3 =	vcvt.f32.s32 v3;
	v5 =	vsel vm0, v5, v6  }
0x3c: {  	s23 =	sadd.s32 $0x40, s23;
	vm0 =	veq.s32 v0, $0x0;
	v6 =	vcvt.f32.s32 v8;
	vm1 =	vgt.s32 v5, $0x0  }
0x3d: {  	v3 =	vadd.s32 $0x3, v3  }
0x3e: {  	v4 =	vadd.s32 $0x3, v4;
	v5 =	vnsel vm1, $0x0, v5;
	vm13 =	veq.s32 v2, $0x0  }
0x3f: {  	vm14 =	veq.s32 v1, $0x0;
	v6 =	vadd.s32 $0x3, v6;
	v0 =	vsel vm0, v3, v0  }
0x40: {  	v5 =	vmin.u32 v5, $0x3EA;
	v2 =	vsel vm13, v4, v2;
	vm15 =	vgt.s32 v0, $0x0  }
0x41: {  	vm2 =	vgt.s32 v2, $0x0;
	v1 =	vsel vm14, v6, v1;
	v0 =	vnsel vm15, $0x0, v0  }
0x42: {  	[tilespmem:s3+$0x10] =	vst v5;
	v2 =	vnsel vm2, $0x0, v2;
	vm0 =	vgt.s32 v1, $0x0;
	v0 =	vmin.u32 v0, $0x3EA  }
0x43: {  	v1 =	vnsel vm0, $0x0, v1;
	v62 =	vmin.u32 v2, $0x3EA;
	[tilespmem:s7+$0xFFFFFFE0] =	vst v0  }
0x44: {  	[tilespmem:s7+$0xFFFFFFF0] =	vst v62;
	v63 =	vmin.u32 v1, $0x3EA  }
0x45: {  	s23 =	sshll.u32 s0, $0x3;
	s24 =	simm.s32 $0x0;
	[tilespmem:s7+$0x0] =	vst v63  }
.LBB2_6:
0x46: {  	s25 =	sadd.s32 s23, s24  }
0x47: {  	s0 =	sshll.u32 s25, $0x14  }
0x48: {  	s29 =	simm.s32 $0x0;
	s26 =	sshll.u32 s25, $0x3;
	s28 =	sor.u32 s10, s0  }
.LBB2_7:
0x49: {  	s0 =	sor.u32 s25, s29  }
0x4a: {  	p1 =	seq.s32 s0, $0x0  }
0x4b: {  	s0 =	simm.s32 @!p1 $0x2  }
0x4c: {  	_ =	swait.ge @!p1 [sflag:s0], $0x1000  }
0x4d: {  	[sflag:s0] =	ssyncset.done @!p1 $0x0  }
0x4e: {  	[sflag:s0] =	ssyncadd.s32 @!p1 $0xFFFFF000  }
0x4f: {  	v15 =	vld [tilespmem:s22+$0x30]  }
0x50: {  	v13 =	vld [tilespmem:s22+$0xFFFFFFD0]  }
0x51: {  	v12 =	vld [tilespmem:s22+$0xFFFFFFE0]  }
0x52: {  	s0 =	sshll.u32 s29, $0xE;
	v11 =	vld [tilespmem:s22+$0xFFFFFFF0]  }
0x53: {  	v0 =	vmov s0;
	v10 =	vld [tilespmem:s22+$0x0]  }
0x54: {  	v8 =	vld [tilespmem:s22+$0x10];
	v1 =	vadd.s32 v0, v15  }
0x55: {  	v14 =	vld [tilespmem:s22+$0xFFFFFFC0];
	v2 =	vadd.s32 v0, v13  }
0x56: {  	v9 =	vld [tilespmem:s22+$0x20];
	v3 =	vadd.s32 v0, v12  }
0x57: {  	v4 =	vadd.s32 v0, v11  }
0x58: {  	v5 =	vadd.s32 v0, v10  }
0x59: {  	v6 =	vadd.s32 v0, v8;
	v7 =	vld.idx.msk [tilespmem:v1+s12+$0x0], $0xffff  }
0x5a: {  	s3 =	sor.u32 $0x400, s0;
	v18 =	vadd.s32 v0, v14;
	v16 =	vld.idx.msk [tilespmem:v2+s12+$0x0], $0xffff  }
0x5b: {  	v1 =	vmov s3;
	v2 =	vadd.s32 v0, v9;
	v3 =	vld.idx.msk [tilespmem:v3+s12+$0x0], $0xffff  }
0x5c: {  	v4 =	vld.idx.msk [tilespmem:v4+s12+$0x0], $0xffff;
	v17 =	vadd.s32 v1, v15  }
0x5d: {  	s31 =	simm.s32 $0x4200;
	v5 =	vld.idx.msk [tilespmem:v5+s12+$0x0], $0xffff;
	v19 =	vadd.s32 v1, v13  }
0x5e: {  	v6 =	vld.idx.msk [tilespmem:v6+s12+$0x0], $0xffff;
	v20 =	vadd.s32 v1, v12;
	[tilespmem:s31+$0xFFFFFE70] =	vst v7  }
0x5f: {  	v21 =	vadd.s32 v1, v11;
	[tilespmem:s31+$0xFFFFFE10] =	vst v16;
	v16 =	vld.idx.msk [tilespmem:v18+s12+$0x0], $0xffff  }
0x60: {  	v23 =	vadd.s32 v1, v8;
	v22 =	vld.idx.msk [tilespmem:v2+s12+$0x0], $0xffff;
	[tilespmem:s31+$0xFFFFFE20] =	vst v3  }
0x61: {  	v7 =	vadd.s32 v1, v10;
	[tilespmem:s31+$0xFFFFFE30] =	vst v4;
	v17 =	vld.idx.msk [tilespmem:v17+s12+$0x0], $0xffff  }
0x62: {  	s14 =	sor.u32 $0x800, s0;
	[tilespmem:s31+$0xFFFFFE40] =	vst v5;
	v18 =	vld.idx.msk [tilespmem:v19+s12+$0x0], $0xffff;
	v19 =	vadd.s32 v1, v14  }
0x63: {  	v2 =	vmov s14;
	[tilespmem:s31+$0xFFFFFE50] =	vst v6;
	v4 =	vld.idx.msk [tilespmem:v20+s12+$0x0], $0xffff;
	v20 =	vadd.s32 v1, v9  }
0x64: {  	v3 =	vadd.s32 v2, v15;
	v5 =	vld.idx.msk [tilespmem:v21+s12+$0x0], $0xffff;
	[tilespmem:s31+$0xFFFFFE00] =	vst v16  }
0x65: {  	v45 =	vadd.s32 v2, v13;
	v23 =	vld.idx.msk [tilespmem:v23+s12+$0x0], $0xffff;
	[tilespmem:s31+$0xFFFFFE60] =	vst v22  }
0x66: {  	v6 =	vld.idx.msk [tilespmem:v7+s12+$0x0], $0xffff;
	v7 =	vadd.s32 v2, v12;
	[tilespmem:s31+$0xFFFFFEF0] =	vst v17  }
0x67: {  	v17 =	vadd.s32 v2, v11;
	v19 =	vld.idx.msk [tilespmem:v19+s12+$0x0], $0xffff;
	[tilespmem:s31+$0xFFFFFE90] =	vst v18  }
0x68: {  	v24 =	vadd.s32 v2, v10;
	v18 =	vld.idx.msk [tilespmem:v20+s12+$0x0], $0xffff;
	[tilespmem:s31+$0xFFFFFEA0] =	vst v4  }
0x69: {  	s7 =	sor.u32 $0xC00, s0;
	v25 =	vadd.s32 v2, v8;
	[tilespmem:s31+$0xFFFFFEB0] =	vst v5;
	v16 =	vld.idx.msk [tilespmem:v3+s12+$0x0], $0xffff  }
0x6a: {  	v46 =	vadd.s32 v2, v14;
	[tilespmem:s31+$0xFFFFFED0] =	vst v23;
	v3 =	vmov s7;
	v21 =	vld.idx.msk [tilespmem:v45+s12+$0x0], $0xffff  }
0x6b: {  	v20 =	vadd.s32 v3, v15;
	v5 =	vld.idx.msk [tilespmem:v7+s12+$0x0], $0xffff;
	[tilespmem:s31+$0xFFFFFEC0] =	vst v6  }
0x6c: {  	v7 =	vadd.s32 v2, v9;
	v6 =	vld.idx.msk [tilespmem:v17+s12+$0x0], $0xffff;
	[tilespmem:s31+$0xFFFFFE80] =	vst v19  }
0x6d: {  	v17 =	vadd.s32 v3, v13;
	v24 =	vld.idx.msk [tilespmem:v24+s12+$0x0], $0xffff;
	[tilespmem:s31+$0xFFFFFEE0] =	vst v18  }
0x6e: {  	v18 =	vld.idx.msk [tilespmem:v25+s12+$0x0], $0xffff;
	[tilespmem:s31+$0xFFFFFF70] =	vst v16;
	v16 =	vadd.s32 v3, v12  }
0x6f: {  	v49 =	vadd.s32 v3, v10;
	v22 =	vld.idx.msk [tilespmem:v46+s12+$0x0], $0xffff;
	[tilespmem:s31+$0xFFFFFF10] =	vst v21  }
0x70: {  	s14 =	sor.u32 $0x1000, s0;
	v19 =	vld.idx.msk [tilespmem:v20+s12+$0x0], $0xffff;
	v20 =	vadd.s32 v3, v11;
	[tilespmem:s31+$0xFFFFFF20] =	vst v5  }
0x71: {  	v4 =	vmov s14;
	v48 =	vadd.s32 v3, v14;
	v7 =	vld.idx.msk [tilespmem:v7+s12+$0x0], $0xffff;
	[tilespmem:s31+$0xFFFFFF30] =	vst v6  }
0x72: {  	v47 =	vadd.s32 v4, v15;
	v17 =	vld.idx.msk [tilespmem:v17+s12+$0x0], $0xffff;
	[tilespmem:s31+$0xFFFFFF40] =	vst v24  }
0x73: {  	v26 =	vadd.s32 v3, v8;
	[tilespmem:s31+$0xFFFFFF50] =	vst v18;
	v6 =	vld.idx.msk [tilespmem:v16+s12+$0x0], $0xffff  }
0x74: {  	v16 =	vadd.s32 v3, v9;
	[tilespmem:s31+$0xFFFFFF00] =	vst v22;
	v18 =	vld.idx.msk [tilespmem:v49+s12+$0x0], $0xffff  }
0x75: {  	v20 =	vld.idx.msk [tilespmem:v20+s12+$0x0], $0xffff;
	[tilespmem:s31+$0xFFFFFFF0] =	vst v19;
	v19 =	vadd.s32 v4, v13  }
0x76: {  	v51 =	vadd.s32 v4, v12;
	v52 =	vld.idx.msk [tilespmem:v48+s12+$0x0], $0xffff  }
0x77: {  	s7 =	sor.u32 $0x1400, s0;
	v54 =	vadd.s32 v4, v14;
	v50 =	vld.idx.msk [tilespmem:v47+s12+$0x0], $0xffff;
	[tilespmem:s31+$0xFFFFFF60] =	vst v7  }
0x78: {  	v55 =	vadd.s32 v4, v11;
	v5 =	vmov s7;
	v7 =	vld.idx.msk [tilespmem:v26+s12+$0x0], $0xffff;
	[tilespmem:s31+$0xFFFFFF90] =	vst v17  }
0x79: {  	v53 =	vadd.s32 v5, v15;
	v16 =	vld.idx.msk [tilespmem:v16+s12+$0x0], $0xffff;
	[tilespmem:s31+$0xFFFFFFA0] =	vst v6  }
0x7a: {  	v17 =	vadd.s32 v4, v10;
	[tilespmem:s31+$0xFFFFFFC0] =	vst v18;
	v19 =	vld.idx.msk [tilespmem:v19+s12+$0x0], $0xffff  }
0x7b: {  	v27 =	vadd.s32 v4, v8;
	v23 =	vld.idx.msk [tilespmem:v51+s12+$0x0], $0xffff;
	[tilespmem:s31+$0xFFFFFF80] =	vst v52  }
0x7c: {  	v56 =	vadd.s32 v4, v9;
	[tilespmem:s31+$0xFFFFFFB0] =	vst v20;
	v20 =	vld.idx.msk [tilespmem:v54+s12+$0x0], $0xffff  }
0x7d: {  	v57 =	vadd.s32 v5, v13;
	[tilespmem:s31+$0x70] =	vst v50;
	v18 =	vld.idx.msk [tilespmem:v55+s12+$0x0], $0xffff  }
0x7e: {  	s14 =	sor.u32 $0x1800, s0;
	v28 =	vadd.s32 v5, v12;
	v21 =	vld.idx.msk [tilespmem:v53+s12+$0x0], $0xffff;
	[tilespmem:s31+$0xFFFFFFD0] =	vst v7  }
0x7f: {  	v59 =	vadd.s32 v5, v14;
	v6 =	vmov s14;
	v17 =	vld.idx.msk [tilespmem:v17+s12+$0x0], $0xffff;
	[tilespmem:s31+$0xFFFFFFE0] =	vst v16  }
0x80: {  	v58 =	vadd.s32 v6, v15;
	v16 =	vld.idx.msk [tilespmem:v27+s12+$0x0], $0xffff;
	[tilespmem:s31+$0x10] =	vst v19  }
0x81: {  	v60 =	vadd.s32 v5, v11;
	v19 =	vld.idx.msk [tilespmem:v56+s12+$0x0], $0xffff;
	[tilespmem:s31+$0x20] =	vst v23  }
0x82: {  	v61 =	vadd.s32 v5, v10;
	v24 =	vld.idx.msk [tilespmem:v57+s12+$0x0], $0xffff;
	[tilespmem:s31+$0x0] =	vst v20  }
0x83: {  	v62 =	vadd.s32 v5, v8;
	[tilespmem:s31+$0x30] =	vst v18;
	v18 =	vld.idx.msk [tilespmem:v28+s12+$0x0], $0xffff  }
0x84: {  	v63 =	vadd.s32 v5, v9;
	[tilespmem:s31+$0xF0] =	vst v21;
	v30 =	vld.idx.msk [tilespmem:v59+s12+$0x0], $0xffff  }
0x85: {  	v32 =	vadd.s32 v6, v13;
	v20 =	vld.idx.msk [tilespmem:v58+s12+$0x0], $0xffff;
	[tilespmem:s31+$0x40] =	vst v17  }
0x86: {  	s0 =	sor.u32 $0x1C00, s0;
	v31 =	vadd.s32 v6, v14;
	v17 =	vld.idx.msk [tilespmem:v60+s12+$0x0], $0xffff;
	[tilespmem:s31+$0x50] =	vst v16  }
0x87: {  	v33 =	vadd.s32 v6, v12;
	v7 =	vmov s0;
	v16 =	vld.idx.msk [tilespmem:v61+s12+$0x0], $0xffff;
	[tilespmem:s31+$0x60] =	vst v19  }
0x88: {  	v15 =	vadd.s32 v7, v15;
	v19 =	vld.idx.msk [tilespmem:v62+s12+$0x0], $0xffff;
	[tilespmem:s31+$0x90] =	vst v24  }
0x89: {  	v34 =	vadd.s32 v6, v11;
	v25 =	vld.idx.msk [tilespmem:v63+s12+$0x0], $0xffff;
	[tilespmem:s31+$0xA0] =	vst v18  }
0x8a: {  	v37 =	vadd.s32 v6, v9;
	[tilespmem:s31+$0x80] =	vst v30;
	v18 =	vld.idx.msk [tilespmem:v32+s12+$0x0], $0xffff  }
0x8b: {  	[tilespmem:s31+$0x170] =	vst v20;
	v20 =	vadd.s32 v6, v10;
	v36 =	vld.idx.msk [tilespmem:v31+s12+$0x0], $0xffff  }
0x8c: {  	v13 =	vadd.s32 v7, v13;
	[tilespmem:s31+$0xB0] =	vst v17;
	v17 =	vld.idx.msk [tilespmem:v33+s12+$0x0], $0xffff  }
0x8d: {  	v35 =	vld.idx.msk [tilespmem:v15+s12+$0x0], $0xffff;
	[tilespmem:s31+$0xC0] =	vst v16  }
0x8e: {  	v16 =	vld.idx.msk [tilespmem:v34+s12+$0x0], $0xffff;
	[tilespmem:s31+$0xE0] =	vst v25  }
0x8f: {  	v15 =	vadd.s32 v6, v8;
	[tilespmem:s31+$0xD0] =	vst v19;
	v38 =	vld.idx.msk [tilespmem:v37+s12+$0x0], $0xffff  }
0x90: {  	v14 =	vadd.s32 v7, v14;
	[tilespmem:s31+$0x110] =	vst v18;
	v19 =	vld.idx.msk [tilespmem:v20+s12+$0x0], $0xffff  }
0x91: {  	s30 =	sadd.s32 $0x400, s22;
	v12 =	vadd.s32 v7, v12;
	v18 =	vld.idx.msk [tilespmem:v13+s12+$0x0], $0xffff  }
0x92: {  	[tilespmem:s31+$0x120] =	vst v17;
	v17 =	vld [tilespmem:s30+$0x30]  }
0x93: {  	v13 =	vld [tilespmem:s30+$0xFFFFFFF0]  }
0x94: {  	[tilespmem:s31+$0x100] =	vst v36;
	v20 =	vld.idx.msk [tilespmem:v15+s12+$0x0], $0xffff  }
0x95: {  	v39 =	vld.idx.msk [tilespmem:v14+s12+$0x0], $0xffff  }
0x96: {  	v11 =	vadd.s32 v7, v11;
	v40 =	vld.idx.msk [tilespmem:v12+s12+$0x0], $0xffff  }
0x97: {  	v15 =	vld [tilespmem:s30+$0xFFFFFFD0]  }
0x98: {  	v10 =	vadd.s32 v7, v10;
	v14 =	vld [tilespmem:s30+$0xFFFFFFE0]  }
0x99: {  	v12 =	vld [tilespmem:s30+$0x0]  }
0x9a: {  	v8 =	vadd.s32 v7, v8;
	[tilespmem:s31+$0x130] =	vst v16;
	v16 =	vld [tilespmem:s30+$0xFFFFFFC0]  }
0x9b: {  	v42 =	vadd.s32 v7, v9;
	v41 =	vld.idx.msk [tilespmem:v11+s12+$0x0], $0xffff  }
0x9c: {  	v11 =	vld [tilespmem:s30+$0x20];
	[tilespmem:s31+$0x140] =	vst v19;
	v43 =	vadd.s32 v0, v17  }
0x9d: {  	v45 =	vadd.s32 v0, v13;
	v19 =	vld.idx.msk [tilespmem:v10+s12+$0x0], $0xffff  }
0x9e: {  	v10 =	vld [tilespmem:s30+$0x10];
	v44 =	vadd.s32 v0, v15;
	[tilespmem:s31+$0x150] =	vst v20  }
0x9f: {  	[tilespmem:s31+$0x160] =	vst v38;
	v20 =	vadd.s32 v0, v14;
	v9 =	vld.idx.msk [tilespmem:v8+s12+$0x0], $0xffff  }
0xa0: {  	v29 =	vadd.s32 v0, v12;
	v8 =	vld.idx.msk [tilespmem:v42+s12+$0x0], $0xffff  }
0xa1: {  	[tilespmem:s31+$0x1F0] =	vst v35;
	v50 =	vadd.s32 v0, v16;
	v47 =	vld.idx.msk [tilespmem:v43+s12+$0x0], $0xffff  }
0xa2: {  	[tilespmem:s31+$0x190] =	vst v18;
	v49 =	vadd.s32 v0, v11;
	v21 =	vld.idx.msk [tilespmem:v45+s12+$0x0], $0xffff  }
0xa3: {  	[tilespmem:s31+$0x180] =	vst v39;
	v46 =	vadd.s32 v0, v10;
	v48 =	vld.idx.msk [tilespmem:v44+s12+$0x0], $0xffff  }
0xa4: {  	[tilespmem:s31+$0x1A0] =	vst v40;
	v18 =	vld.idx.msk [tilespmem:v20+s12+$0x0], $0xffff;
	v20 =	vadd.s32 v1, v17  }
0xa5: {  	v53 =	vadd.s32 v1, v13;
	[tilespmem:s31+$0x1B0] =	vst v41;
	v52 =	vld.idx.msk [tilespmem:v29+s12+$0x0], $0xffff  }
0xa6: {  	s0 =	simm.s32 $0x4600;
	v51 =	vadd.s32 v1, v15;
	[tilespmem:s31+$0x1C0] =	vst v19;
	v24 =	vld.idx.msk [tilespmem:v50+s12+$0x0], $0xffff  }
0xa7: {  	v19 =	vadd.s32 v1, v14;
	v27 =	vld.idx.msk [tilespmem:v49+s12+$0x0], $0xffff;
	[tilespmem:s0+$0xFFFFFE70] =	vst v47  }
0xa8: {  	v54 =	vadd.s32 v1, v12;
	[tilespmem:s0+$0xFFFFFE30] =	vst v21;
	v23 =	vld.idx.msk [tilespmem:v46+s12+$0x0], $0xffff  }
0xa9: {  	v57 =	vadd.s32 v1, v16;
	[tilespmem:s0+$0xFFFFFE10] =	vst v48;
	v20 =	vld.idx.msk [tilespmem:v20+s12+$0x0], $0xffff  }
0xaa: {  	v55 =	vadd.s32 v1, v10;
	[tilespmem:s0+$0xFFFFFE20] =	vst v18;
	v29 =	vld.idx.msk [tilespmem:v53+s12+$0x0], $0xffff  }
0xab: {  	v56 =	vadd.s32 v2, v17;
	[tilespmem:s0+$0xFFFFFE40] =	vst v52;
	v18 =	vld.idx.msk [tilespmem:v51+s12+$0x0], $0xffff  }
0xac: {  	v58 =	vadd.s32 v1, v11;
	[tilespmem:s0+$0xFFFFFE00] =	vst v24;
	v19 =	vld.idx.msk [tilespmem:v19+s12+$0x0], $0xffff  }
0xad: {  	v59 =	vadd.s32 v2, v15;
	v26 =	vld.idx.msk [tilespmem:v54+s12+$0x0], $0xffff;
	[tilespmem:s0+$0xFFFFFE60] =	vst v27  }
0xae: {  	v60 =	vadd.s32 v2, v14;
	v25 =	vld.idx.msk [tilespmem:v57+s12+$0x0], $0xffff;
	[tilespmem:s0+$0xFFFFFE50] =	vst v23  }
0xaf: {  	v61 =	vadd.s32 v2, v12;
	[tilespmem:s0+$0xFFFFFEF0] =	vst v20;
	v22 =	vld.idx.msk [tilespmem:v55+s12+$0x0], $0xffff  }
0xb0: {  	v62 =	vadd.s32 v2, v16;
	[tilespmem:s0+$0xFFFFFEB0] =	vst v29;
	v21 =	vld.idx.msk [tilespmem:v56+s12+$0x0], $0xffff  }
0xb1: {  	v20 =	vadd.s32 v2, v13;
	[tilespmem:s0+$0xFFFFFE90] =	vst v18;
	v18 =	vld.idx.msk [tilespmem:v58+s12+$0x0], $0xffff  }
0xb2: {  	[tilespmem:s0+$0xFFFFFEA0] =	vst v19;
	v19 =	vadd.s32 v3, v17;
	v23 =	vld.idx.msk [tilespmem:v59+s12+$0x0], $0xffff  }
0xb3: {  	v63 =	vadd.s32 v2, v10;
	[tilespmem:s0+$0xFFFFFEC0] =	vst v26;
	v27 =	vld.idx.msk [tilespmem:v60+s12+$0x0], $0xffff  }
0xb4: {  	v32 =	vadd.s32 v2, v11;
	[tilespmem:s0+$0xFFFFFE80] =	vst v25;
	v24 =	vld.idx.msk [tilespmem:v61+s12+$0x0], $0xffff  }
0xb5: {  	v33 =	vadd.s32 v3, v15;
	v28 =	vld.idx.msk [tilespmem:v62+s12+$0x0], $0xffff;
	[tilespmem:s0+$0xFFFFFED0] =	vst v22  }
0xb6: {  	v34 =	vadd.s32 v3, v14;
	v20 =	vld.idx.msk [tilespmem:v20+s12+$0x0], $0xffff;
	[tilespmem:s0+$0xFFFFFF70] =	vst v21  }
0xb7: {  	v37 =	vadd.s32 v3, v16;
	[tilespmem:s0+$0xFFFFFEE0] =	vst v18;
	v19 =	vld.idx.msk [tilespmem:v19+s12+$0x0], $0xffff  }
0xb8: {  	v35 =	vadd.s32 v3, v13;
	[tilespmem:s0+$0xFFFFFF10] =	vst v23;
	v18 =	vld.idx.msk [tilespmem:v63+s12+$0x0], $0xffff  }
0xb9: {  	v38 =	vadd.s32 v3, v12;
	[tilespmem:s0+$0xFFFFFF20] =	vst v27;
	v26 =	vld.idx.msk [tilespmem:v32+s12+$0x0], $0xffff  }
0xba: {  	v36 =	vadd.s32 v4, v17;
	[tilespmem:s0+$0xFFFFFF40] =	vst v24;
	v22 =	vld.idx.msk [tilespmem:v33+s12+$0x0], $0xffff  }
0xbb: {  	v39 =	vadd.s32 v3, v11;
	[tilespmem:s0+$0xFFFFFF00] =	vst v28;
	v21 =	vld.idx.msk [tilespmem:v34+s12+$0x0], $0xffff  }
0xbc: {  	v40 =	vadd.s32 v4, v14;
	v29 =	vld.idx.msk [tilespmem:v37+s12+$0x0], $0xffff;
	[tilespmem:s0+$0xFFFFFF30] =	vst v20  }
0xbd: {  	v42 =	vadd.s32 v4, v16;
	v25 =	vld.idx.msk [tilespmem:v35+s12+$0x0], $0xffff;
	[tilespmem:s0+$0xFFFFFFF0] =	vst v19  }
0xbe: {  	v20 =	vadd.s32 v3, v10;
	[tilespmem:s0+$0xFFFFFF50] =	vst v18;
	v18 =	vld.idx.msk [tilespmem:v38+s12+$0x0], $0xffff  }
0xbf: {  	v19 =	vadd.s32 v4, v15;
	[tilespmem:s0+$0xFFFFFF60] =	vst v26;
	v23 =	vld.idx.msk [tilespmem:v36+s12+$0x0], $0xffff  }
0xc0: {  	v43 =	vadd.s32 v4, v13;
	[tilespmem:s0+$0xFFFFFFA0] =	vst v21;
	v44 =	vld.idx.msk [tilespmem:v39+s12+$0x0], $0xffff  }
0xc1: {  	v45 =	vadd.s32 v4, v12;
	[tilespmem:s0+$0xFFFFFF80] =	vst v29;
	v28 =	vld.idx.msk [tilespmem:v40+s12+$0x0], $0xffff  }
0xc2: {  	v41 =	vadd.s32 v5, v17;
	[tilespmem:s0+$0xFFFFFF90] =	vst v22;
	v27 =	vld.idx.msk [tilespmem:v42+s12+$0x0], $0xffff  }
0xc3: {  	v47 =	vadd.s32 v4, v11;
	v20 =	vld.idx.msk [tilespmem:v20+s12+$0x0], $0xffff;
	[tilespmem:s0+$0xFFFFFFB0] =	vst v25  }
0xc4: {  	v49 =	vadd.s32 v5, v16;
	v19 =	vld.idx.msk [tilespmem:v19+s12+$0x0], $0xffff;
	[tilespmem:s0+$0xFFFFFFC0] =	vst v18  }
0xc5: {  	v46 =	vadd.s32 v4, v10;
	v18 =	vld.idx.msk [tilespmem:v43+s12+$0x0], $0xffff;
	[tilespmem:s0+$0x70] =	vst v23  }
0xc6: {  	v50 =	vadd.s32 v5, v14;
	v24 =	vld.idx.msk [tilespmem:v45+s12+$0x0], $0xffff;
	[tilespmem:s0+$0xFFFFFFE0] =	vst v44  }
0xc7: {  	v48 =	vadd.s32 v5, v15;
	v26 =	vld.idx.msk [tilespmem:v41+s12+$0x0], $0xffff;
	[tilespmem:s0+$0x20] =	vst v28  }
0xc8: {  	v51 =	vadd.s32 v5, v13;
	v23 =	vld.idx.msk [tilespmem:v47+s12+$0x0], $0xffff;
	[tilespmem:s0+$0x0] =	vst v27  }
0xc9: {  	[tilespmem:s0+$0xFFFFFFD0] =	vst v20;
	v20 =	vadd.s32 v6, v17;
	v22 =	vld.idx.msk [tilespmem:v49+s12+$0x0], $0xffff  }
0xca: {  	v52 =	vadd.s32 v5, v12;
	[tilespmem:s0+$0x10] =	vst v19;
	v19 =	vld.idx.msk [tilespmem:v46+s12+$0x0], $0xffff  }
0xcb: {  	v54 =	vadd.s32 v5, v11;
	[tilespmem:s0+$0x30] =	vst v18;
	v18 =	vld.idx.msk [tilespmem:v50+s12+$0x0], $0xffff  }
0xcc: {  	v55 =	vadd.s32 v6, v16;
	v29 =	vld.idx.msk [tilespmem:v48+s12+$0x0], $0xffff;
	[tilespmem:s0+$0x40] =	vst v24  }
0xcd: {  	v53 =	vadd.s32 v5, v10;
	v56 =	vld.idx.msk [tilespmem:v51+s12+$0x0], $0xffff;
	[tilespmem:s0+$0xF0] =	vst v26  }
0xce: {  	v58 =	vadd.s32 v6, v14;
	[tilespmem:s0+$0x60] =	vst v23;
	v20 =	vld.idx.msk [tilespmem:v20+s12+$0x0], $0xffff  }
0xcf: {  	v17 =	vadd.s32 v7, v17;
	v57 =	vld.idx.msk [tilespmem:v52+s12+$0x0], $0xffff;
	[tilespmem:s0+$0x80] =	vst v22  }
0xd0: {  	v59 =	vadd.s32 v6, v13;
	v27 =	vld.idx.msk [tilespmem:v54+s12+$0x0], $0xffff;
	[tilespmem:s0+$0x50] =	vst v19  }
0xd1: {  	v21 =	vld.idx.msk [tilespmem:v55+s12+$0x0], $0xffff;
	v19 =	vadd.s32 v6, v15;
	[tilespmem:s0+$0xA0] =	vst v18  }
0xd2: {  	v18 =	vadd.s32 v6, v11;
	[tilespmem:s0+$0x90] =	vst v29;
	v26 =	vld.idx.msk [tilespmem:v53+s12+$0x0], $0xffff  }
0xd3: {  	v23 =	vld.idx.msk [tilespmem:v58+s12+$0x0], $0xffff;
	[tilespmem:s0+$0x170] =	vst v20;
	v20 =	vadd.s32 v6, v12  }
0xd4: {  	v60 =	vadd.s32 v6, v10;
	[tilespmem:s0+$0xB0] =	vst v56;
	v17 =	vld.idx.msk [tilespmem:v17+s12+$0x0], $0xffff  }
0xd5: {  	v61 =	vadd.s32 v7, v16;
	[tilespmem:s0+$0xC0] =	vst v57;
	v62 =	vld.idx.msk [tilespmem:v59+s12+$0x0], $0xffff  }
0xd6: {  	v63 =	vadd.s32 v7, v14;
	[tilespmem:s0+$0xE0] =	vst v27;
	v19 =	vld.idx.msk [tilespmem:v19+s12+$0x0], $0xffff  }
0xd7: {  	v15 =	vadd.s32 v7, v15;
	[tilespmem:s0+$0x100] =	vst v21;
	v16 =	vld.idx.msk [tilespmem:v18+s12+$0x0], $0xffff  }
0xd8: {  	v13 =	vadd.s32 v7, v13;
	[tilespmem:s0+$0xD0] =	vst v26;
	v20 =	vld.idx.msk [tilespmem:v20+s12+$0x0], $0xffff  }
0xd9: {  	v22 =	vld.idx.msk [tilespmem:v60+s12+$0x0], $0xffff;
	[tilespmem:s0+$0x1F0] =	vst v17;
	v17 =	vadd.s32 v7, v12  }
0xda: {  	v14 =	vld.idx.msk [tilespmem:v61+s12+$0x0], $0xffff;
	[tilespmem:s0+$0x120] =	vst v23  }
0xdb: {  	v18 =	vld.idx.msk [tilespmem:v63+s12+$0x0], $0xffff;
	[tilespmem:s0+$0x110] =	vst v19  }
0xdc: {  	[tilespmem:s0+$0x130] =	vst v62;
	v15 =	vld.idx.msk [tilespmem:v15+s12+$0x0], $0xffff  }
0xdd: {  	v13 =	vld.idx.msk [tilespmem:v13+s12+$0x0], $0xffff;
	[tilespmem:s0+$0x140] =	vst v20  }
0xde: {  	s3 =	sshll.u32 s29, $0x1;
	s7 =	sadd.s32 $0x400, s30;
	s14 =	simm.s32 $0x8;
	v11 =	vadd.s32 v7, v11;
	v12 =	vadd.s32 v7, v10;
	[tilespmem:s0+$0x150] =	vst v22;
	v17 =	vld.idx.msk [tilespmem:v17+s12+$0x0], $0xffff  }
.LBB2_8:
0xdf: {  	v10 =	vld [tilespmem:s7+$0x30];
	s14 =	sadd.s32 $0x8, s14;
	[tilespmem:s0+$0x160] =	vst v16  }
0xe0: {  	v21 =	vld [tilespmem:s7+$0xFFFFFFD0];
	p1 =	slt.u32 s14, $0x18;
	[tilespmem:s0+$0x180] =	vst v14  }
0xe1: {  	v25 =	vld [tilespmem:s7+$0xFFFFFFE0];
	[tilespmem:s0+$0x190] =	vst v15  }
0xe2: {  	v26 =	vld [tilespmem:s7+$0xFFFFFFF0];
	[tilespmem:s0+$0x1A0] =	vst v18  }
0xe3: {  	v27 =	vld [tilespmem:s7+$0x0];
	[tilespmem:s0+$0x1B0] =	vst v13  }
0xe4: {  	v28 =	vld [tilespmem:s7+$0x10];
	v13 =	vadd.s32 v0, v10;
	[tilespmem:s0+$0x1C0] =	vst v17  }
0xe5: {  	v14 =	vadd.s32 v0, v21;
	v15 =	vadd.s32 v1, v21;
	v17 =	vadd.s32 v2, v21;
	v29 =	vld [tilespmem:s7+$0x20];
	[tilespmem:s31+$0x1D0] =	vst v9  }
0xe6: {  	v20 =	vld [tilespmem:s7+$0xFFFFFFC0];
	v16 =	vadd.s32 v0, v25;
	v18 =	vadd.s32 v1, v25;
	v30 =	vadd.s32 v2, v25;
	[tilespmem:s31+$0x1E0] =	vst v8;
	s31 =	smov.u32 s0  }
0xe7: {  	v19 =	vadd.s32 v0, v26;
	v22 =	vadd.s32 v1, v26;
	v31 =	vadd.s32 v2, v26;
	v9 =	vld.idx.msk [tilespmem:v12+s12+$0x0], $0xffff  }
0xe8: {  	v12 =	vadd.s32 v0, v27;
	v23 =	vadd.s32 v1, v27;
	v32 =	vadd.s32 v2, v27;
	v8 =	vld.idx.msk [tilespmem:v11+s12+$0x0], $0xffff  }
0xe9: {  	v11 =	vadd.s32 v0, v28;
	v24 =	vadd.s32 v1, v28;
	v33 =	vadd.s32 v2, v28;
	v13 =	vld.idx.msk [tilespmem:v13+s12+$0x0], $0xffff  }
0xea: {  	v14 =	vld.idx.msk [tilespmem:v14+s12+$0x0], $0xffff;
	v34 =	vadd.s32 v0, v29;
	v35 =	vadd.s32 v1, v29;
	v36 =	vadd.s32 v2, v29  }
0xeb: {  	v39 =	vadd.s32 v1, v10;
	v37 =	vadd.s32 v0, v20;
	v38 =	vadd.s32 v1, v20;
	v16 =	vld.idx.msk [tilespmem:v16+s12+$0x0], $0xffff  }
0xec: {  	v42 =	vadd.s32 v3, v21;
	v40 =	vadd.s32 v2, v20;
	v41 =	vadd.s32 v3, v20;
	v19 =	vld.idx.msk [tilespmem:v19+s12+$0x0], $0xffff  }
0xed: {  	v43 =	vadd.s32 v3, v25;
	v44 =	vadd.s32 v3, v26;
	v45 =	vadd.s32 v3, v27;
	v12 =	vld.idx.msk [tilespmem:v12+s12+$0x0], $0xffff  }
0xee: {  	s0 =	sadd.s32 $0x400, s0;
	v47 =	vadd.s32 v3, v28;
	v48 =	vadd.s32 v3, v29;
	v46 =	vadd.s32 v4, v20;
	v11 =	vld.idx.msk [tilespmem:v11+s12+$0x0], $0xffff  }
0xef: {  	v49 =	vadd.s32 v4, v21;
	v50 =	vadd.s32 v4, v25;
	v34 =	vld.idx.msk [tilespmem:v34+s12+$0x0], $0xffff;
	[tilespmem:s0+$0xFFFFFE70] =	vst v13  }
0xf0: {  	v51 =	vadd.s32 v4, v26;
	v52 =	vadd.s32 v4, v27;
	[tilespmem:s0+$0xFFFFFE10] =	vst v14;
	v13 =	vld.idx.msk [tilespmem:v39+s12+$0x0], $0xffff  }
0xf1: {  	v53 =	vadd.s32 v4, v29;
	v39 =	vadd.s32 v4, v28;
	v37 =	vld.idx.msk [tilespmem:v37+s12+$0x0], $0xffff;
	[tilespmem:s0+$0xFFFFFE20] =	vst v16  }
0xf2: {  	v54 =	vadd.s32 v5, v20;
	v15 =	vld.idx.msk [tilespmem:v15+s12+$0x0], $0xffff;
	[tilespmem:s0+$0xFFFFFE30] =	vst v19;
	v19 =	vadd.s32 v2, v10  }
0xf3: {  	v55 =	vadd.s32 v5, v21;
	v57 =	vadd.s32 v5, v25;
	v56 =	vld.idx.msk [tilespmem:v18+s12+$0x0], $0xffff;
	[tilespmem:s0+$0xFFFFFE40] =	vst v12  }
0xf4: {  	v58 =	vadd.s32 v5, v26;
	v59 =	vadd.s32 v5, v27;
	v12 =	vld.idx.msk [tilespmem:v22+s12+$0x0], $0xffff;
	[tilespmem:s0+$0xFFFFFE50] =	vst v11  }
0xf5: {  	v60 =	vadd.s32 v5, v28;
	v11 =	vld.idx.msk [tilespmem:v23+s12+$0x0], $0xffff;
	[tilespmem:s0+$0xFFFFFE60] =	vst v34;
	v34 =	vadd.s32 v5, v29  }
0xf6: {  	v14 =	vadd.s32 v6, v21;
	v22 =	vadd.s32 v6, v20;
	v61 =	vld.idx.msk [tilespmem:v24+s12+$0x0], $0xffff;
	[tilespmem:s0+$0xFFFFFEF0] =	vst v13  }
0xf7: {  	v16 =	vadd.s32 v6, v26;
	v23 =	vadd.s32 v6, v25;
	[tilespmem:s0+$0xFFFFFE00] =	vst v37;
	v37 =	vld.idx.msk [tilespmem:v19+s12+$0x0], $0xffff  }
0xf8: {  	v18 =	vadd.s32 v6, v28;
	v24 =	vadd.s32 v6, v27;
	v38 =	vld.idx.msk [tilespmem:v38+s12+$0x0], $0xffff;
	[tilespmem:s0+$0xFFFFFE90] =	vst v15  }
0xf9: {  	v19 =	vadd.s32 v6, v29;
	[tilespmem:s0+$0xFFFFFEA0] =	vst v56;
	v35 =	vld.idx.msk [tilespmem:v35+s12+$0x0], $0xffff;
	v56 =	vadd.s32 v3, v10  }
0xfa: {  	v20 =	vadd.s32 v7, v20;
	v15 =	vadd.s32 v7, v21;
	v62 =	vld.idx.msk [tilespmem:v17+s12+$0x0], $0xffff;
	[tilespmem:s0+$0xFFFFFEB0] =	vst v12  }
0xfb: {  	v13 =	vadd.s32 v7, v26;
	v21 =	vadd.s32 v7, v25;
	v30 =	vld.idx.msk [tilespmem:v30+s12+$0x0], $0xffff;
	[tilespmem:s0+$0xFFFFFEC0] =	vst v11  }
0xfc: {  	v17 =	vadd.s32 v7, v27;
	v12 =	vadd.s32 v7, v28;
	v25 =	vld.idx.msk [tilespmem:v31+s12+$0x0], $0xffff;
	[tilespmem:s0+$0xFFFFFED0] =	vst v61  }
0xfd: {  	v11 =	vadd.s32 v7, v29;
	v26 =	vld.idx.msk [tilespmem:v32+s12+$0x0], $0xffff;
	[tilespmem:s0+$0xFFFFFF70] =	vst v37  }
0xfe: {  	[tilespmem:s0+$0xFFFFFE80] =	vst v38;
	v27 =	vld.idx.msk [tilespmem:v56+s12+$0x0], $0xffff  }
0xff: {  	v28 =	vld.idx.msk [tilespmem:v40+s12+$0x0], $0xffff;
	[tilespmem:s0+$0xFFFFFEE0] =	vst v35  }
0x100: {  	v31 =	vadd.s32 v4, v10;
	[tilespmem:s0+$0xFFFFFF10] =	vst v62;
	v29 =	vld.idx.msk [tilespmem:v33+s12+$0x0], $0xffff  }
0x101: {  	[tilespmem:s0+$0xFFFFFF20] =	vst v30;
	v30 =	vld.idx.msk [tilespmem:v36+s12+$0x0], $0xffff  }
0x102: {  	v32 =	vld.idx.msk [tilespmem:v42+s12+$0x0], $0xffff;
	[tilespmem:s0+$0xFFFFFF30] =	vst v25  }
0x103: {  	v25 =	vld.idx.msk [tilespmem:v43+s12+$0x0], $0xffff;
	[tilespmem:s0+$0xFFFFFF40] =	vst v26  }
0x104: {  	v26 =	vld.idx.msk [tilespmem:v44+s12+$0x0], $0xffff;
	[tilespmem:s0+$0xFFFFFFF0] =	vst v27  }
0x105: {  	[tilespmem:s0+$0xFFFFFF00] =	vst v28;
	v27 =	vld.idx.msk [tilespmem:v31+s12+$0x0], $0xffff  }
0x106: {  	v28 =	vld.idx.msk [tilespmem:v41+s12+$0x0], $0xffff;
	[tilespmem:s0+$0xFFFFFF50] =	vst v29  }
0x107: {  	v29 =	vld.idx.msk [tilespmem:v45+s12+$0x0], $0xffff;
	[tilespmem:s0+$0xFFFFFF60] =	vst v30;
	v30 =	vadd.s32 v5, v10  }
0x108: {  	[tilespmem:s0+$0xFFFFFF90] =	vst v32;
	v31 =	vld.idx.msk [tilespmem:v47+s12+$0x0], $0xffff  }
0x109: {  	[tilespmem:s0+$0xFFFFFFA0] =	vst v25;
	v25 =	vld.idx.msk [tilespmem:v48+s12+$0x0], $0xffff  }
0x10a: {  	v32 =	vld.idx.msk [tilespmem:v49+s12+$0x0], $0xffff;
	[tilespmem:s0+$0xFFFFFFB0] =	vst v26  }
0x10b: {  	v26 =	vld.idx.msk [tilespmem:v50+s12+$0x0], $0xffff;
	[tilespmem:s0+$0x70] =	vst v27  }
0x10c: {  	[tilespmem:s0+$0xFFFFFF80] =	vst v28;
	v27 =	vld.idx.msk [tilespmem:v30+s12+$0x0], $0xffff  }
0x10d: {  	v28 =	vld.idx.msk [tilespmem:v46+s12+$0x0], $0xffff;
	[tilespmem:s0+$0xFFFFFFC0] =	vst v29  }
0x10e: {  	v30 =	vadd.s32 v6, v10;
	v29 =	vld.idx.msk [tilespmem:v51+s12+$0x0], $0xffff;
	[tilespmem:s0+$0xFFFFFFD0] =	vst v31  }
0x10f: {  	v31 =	vld.idx.msk [tilespmem:v52+s12+$0x0], $0xffff;
	[tilespmem:s0+$0xFFFFFFE0] =	vst v25  }
0x110: {  	[tilespmem:s0+$0x10] =	vst v32;
	v25 =	vld.idx.msk [tilespmem:v39+s12+$0x0], $0xffff  }
0x111: {  	[tilespmem:s0+$0x20] =	vst v26;
	v26 =	vld.idx.msk [tilespmem:v53+s12+$0x0], $0xffff  }
0x112: {  	v32 =	vld.idx.msk [tilespmem:v55+s12+$0x0], $0xffff;
	[tilespmem:s0+$0xF0] =	vst v27  }
0x113: {  	[tilespmem:s0+$0x0] =	vst v28;
	v27 =	vld.idx.msk [tilespmem:v30+s12+$0x0], $0xffff  }
0x114: {  	v28 =	vld.idx.msk [tilespmem:v54+s12+$0x0], $0xffff;
	[tilespmem:s0+$0x30] =	vst v29  }
0x115: {  	v10 =	vadd.s32 v7, v10;
	v29 =	vld.idx.msk [tilespmem:v57+s12+$0x0], $0xffff;
	[tilespmem:s0+$0x40] =	vst v31  }
0x116: {  	v30 =	vld.idx.msk [tilespmem:v58+s12+$0x0], $0xffff;
	[tilespmem:s0+$0x50] =	vst v25  }
0x117: {  	v25 =	vld.idx.msk [tilespmem:v59+s12+$0x0], $0xffff;
	[tilespmem:s0+$0x60] =	vst v26  }
0x118: {  	[tilespmem:s0+$0x90] =	vst v32;
	v26 =	vld.idx.msk [tilespmem:v60+s12+$0x0], $0xffff  }
0x119: {  	v31 =	vld.idx.msk [tilespmem:v34+s12+$0x0], $0xffff;
	[tilespmem:s0+$0x170] =	vst v27  }
0x11a: {  	[tilespmem:s0+$0x80] =	vst v28;
	v10 =	vld.idx.msk [tilespmem:v10+s12+$0x0], $0xffff  }
0x11b: {  	v22 =	vld.idx.msk [tilespmem:v22+s12+$0x0], $0xffff;
	[tilespmem:s0+$0xA0] =	vst v29  }
0x11c: {  	v27 =	vld.idx.msk [tilespmem:v14+s12+$0x0], $0xffff;
	[tilespmem:s0+$0xB0] =	vst v30  }
0x11d: {  	v23 =	vld.idx.msk [tilespmem:v23+s12+$0x0], $0xffff;
	[tilespmem:s0+$0xC0] =	vst v25  }
0x11e: {  	v25 =	vld.idx.msk [tilespmem:v16+s12+$0x0], $0xffff;
	[tilespmem:s0+$0xD0] =	vst v26  }
0x11f: {  	v24 =	vld.idx.msk [tilespmem:v24+s12+$0x0], $0xffff;
	[tilespmem:s0+$0xE0] =	vst v31  }
0x120: {  	v26 =	vld.idx.msk [tilespmem:v18+s12+$0x0], $0xffff;
	[tilespmem:s0+$0x1F0] =	vst v10  }
0x121: {  	[tilespmem:s0+$0x100] =	vst v22;
	v16 =	vld.idx.msk [tilespmem:v19+s12+$0x0], $0xffff  }
.Ltmp1:
0x122: {  	v14 =	vld.idx.msk [tilespmem:v20+s12+$0x0], $0xffff;
	[tilespmem:s0+$0x110] =	vst v27;
	(pc) =	sbr.rel @p1 .LBB2_8-.Ltmp1, $4  }
0x123: {  	v15 =	vld.idx.msk [tilespmem:v15+s12+$0x0], $0xffff;
	[tilespmem:s0+$0x120] =	vst v23  }
0x124: {  	v18 =	vld.idx.msk [tilespmem:v21+s12+$0x0], $0xffff;
	[tilespmem:s0+$0x130] =	vst v25  }
0x125: {  	v13 =	vld.idx.msk [tilespmem:v13+s12+$0x0], $0xffff;
	[tilespmem:s0+$0x140] =	vst v24  }
0x126: {  	s7 =	sadd.s32 $0x400, s7;
	v17 =	vld.idx.msk [tilespmem:v17+s12+$0x0], $0xffff;
	[tilespmem:s0+$0x150] =	vst v26  }
0x127: {  	_ = 	snop  }
0x128: {  	[tilespmem:s0+$0x160] =	vst v16  }
0x129: {  	[tilespmem:s0+$0x180] =	vst v14  }
0x12a: {  	[tilespmem:s31+$0x1D0] =	vst v9  }
0x12b: {  	v0 =	vld.idx.msk [tilespmem:v12+s12+$0x0], $0xffff;
	[tilespmem:s31+$0x1E0] =	vst v8  }
0x12c: {  	[tilespmem:s0+$0x190] =	vst v15;
	v1 =	vld.idx.msk [tilespmem:v11+s12+$0x0], $0xffff  }
0x12d: {  	[tilespmem:s0+$0x1A0] =	vst v18  }
0x12e: {  	s7 =	sshll.u32 s29, $0x12;
	s31 =	sor.u32 $0x1, s3;
	[tilespmem:s0+$0x1B0] =	vst v13  }
0x12f: {  	s7 =	sadd.s32 s28, s7;
	s3 =	sadd.s32 s26, s31;
	[tilespmem:s0+$0x1C0] =	vst v17  }
0x130: {  	s7 =	sshrl.u32 s7, $0x3;
	p1 =	seq.s32 s3, $0x1;
	[tilespmem:s0+$0x1D0] =	vst v0  }
0x131: {  	s14 =	sadd.s32 s4, s7;
	[tilespmem:s0+$0x1E0] =	vst v1;
	s0 =	simm.s32 @!p1 $0x3  }
0x132: {  	[hbm4b:s14+s5] =	stream.linear.scatter [tilespmem:s16], [sflag:$0x2], $0x1000, $0x38;
	[tilespmem:$0x16000] =	vst v63  }
0x133: {  	_ =	swait.ge @!p1 [sflag:s0], $0x1000  }
0x134: {  	[sflag:s0] =	ssyncset.done @!p1 $0x0  }
0x135: {  	[sflag:s0] =	ssyncadd.s32 @!p1 $0xFFFFF000  }
0x136: {  	v15 =	vld [tilespmem:s22+$0x30]  }
0x137: {  	v13 =	vld [tilespmem:s22+$0xFFFFFFD0]  }
0x138: {  	v12 =	vld [tilespmem:s22+$0xFFFFFFE0]  }
0x139: {  	s3 =	sshll.u32 s31, $0xD;
	v11 =	vld [tilespmem:s22+$0xFFFFFFF0]  }
0x13a: {  	v0 =	vmov s3;
	v10 =	vld [tilespmem:s22+$0x0]  }
0x13b: {  	v8 =	vld [tilespmem:s22+$0x10];
	v1 =	vadd.s32 v0, v15  }
0x13c: {  	v14 =	vld [tilespmem:s22+$0xFFFFFFC0];
	v2 =	vadd.s32 v0, v13  }
0x13d: {  	v9 =	vld [tilespmem:s22+$0x20];
	v3 =	vadd.s32 v0, v12  }
0x13e: {  	v4 =	vadd.s32 v0, v11  }
0x13f: {  	v5 =	vadd.s32 v0, v10  }
0x140: {  	v6 =	vadd.s32 v0, v8;
	v7 =	vld.idx.msk [tilespmem:v1+s12+$0x0], $0xffff  }
0x141: {  	s7 =	sor.u32 $0x400, s3;
	v18 =	vadd.s32 v0, v14;
	v16 =	vld.idx.msk [tilespmem:v2+s12+$0x0], $0xffff  }
0x142: {  	v1 =	vmov s7;
	v2 =	vadd.s32 v0, v9;
	v3 =	vld.idx.msk [tilespmem:v3+s12+$0x0], $0xffff  }
0x143: {  	v4 =	vld.idx.msk [tilespmem:v4+s12+$0x0], $0xffff;
	v17 =	vadd.s32 v1, v15  }
0x144: {  	s0 =	simm.s32 $0x53F0;
	v5 =	vld.idx.msk [tilespmem:v5+s12+$0x0], $0xffff;
	v19 =	vadd.s32 v1, v13  }
0x145: {  	v6 =	vld.idx.msk [tilespmem:v6+s12+$0x0], $0xffff;
	v20 =	vadd.s32 v1, v12;
	[tilespmem:s0+$0xFFFFFC80] =	vst v7  }
0x146: {  	v21 =	vadd.s32 v1, v11;
	[tilespmem:s0+$0xFFFFFC20] =	vst v16;
	v16 =	vld.idx.msk [tilespmem:v18+s12+$0x0], $0xffff  }
0x147: {  	v23 =	vadd.s32 v1, v8;
	v22 =	vld.idx.msk [tilespmem:v2+s12+$0x0], $0xffff;
	[tilespmem:s0+$0xFFFFFC30] =	vst v3  }
0x148: {  	v7 =	vadd.s32 v1, v10;
	[tilespmem:s0+$0xFFFFFC40] =	vst v4;
	v17 =	vld.idx.msk [tilespmem:v17+s12+$0x0], $0xffff  }
0x149: {  	s14 =	sor.u32 $0x800, s3;
	[tilespmem:s0+$0xFFFFFC50] =	vst v5;
	v18 =	vld.idx.msk [tilespmem:v19+s12+$0x0], $0xffff;
	v19 =	vadd.s32 v1, v14  }
0x14a: {  	v2 =	vmov s14;
	[tilespmem:s0+$0xFFFFFC60] =	vst v6;
	v4 =	vld.idx.msk [tilespmem:v20+s12+$0x0], $0xffff;
	v20 =	vadd.s32 v1, v9  }
0x14b: {  	v3 =	vadd.s32 v2, v15;
	v5 =	vld.idx.msk [tilespmem:v21+s12+$0x0], $0xffff;
	[tilespmem:s0+$0xFFFFFC10] =	vst v16  }
0x14c: {  	v45 =	vadd.s32 v2, v13;
	v23 =	vld.idx.msk [tilespmem:v23+s12+$0x0], $0xffff;
	[tilespmem:s0+$0xFFFFFC70] =	vst v22  }
0x14d: {  	v6 =	vld.idx.msk [tilespmem:v7+s12+$0x0], $0xffff;
	v7 =	vadd.s32 v2, v12;
	[tilespmem:s0+$0xFFFFFD00] =	vst v17  }
0x14e: {  	v17 =	vadd.s32 v2, v11;
	v19 =	vld.idx.msk [tilespmem:v19+s12+$0x0], $0xffff;
	[tilespmem:s0+$0xFFFFFCA0] =	vst v18  }
0x14f: {  	v24 =	vadd.s32 v2, v10;
	v18 =	vld.idx.msk [tilespmem:v20+s12+$0x0], $0xffff;
	[tilespmem:s0+$0xFFFFFCB0] =	vst v4  }
0x150: {  	s14 =	sor.u32 $0xC00, s3;
	v25 =	vadd.s32 v2, v8;
	[tilespmem:s0+$0xFFFFFCC0] =	vst v5;
	v16 =	vld.idx.msk [tilespmem:v3+s12+$0x0], $0xffff  }
0x151: {  	v46 =	vadd.s32 v2, v14;
	[tilespmem:s0+$0xFFFFFCE0] =	vst v23;
	v3 =	vmov s14;
	v21 =	vld.idx.msk [tilespmem:v45+s12+$0x0], $0xffff  }
0x152: {  	v20 =	vadd.s32 v3, v15;
	v5 =	vld.idx.msk [tilespmem:v7+s12+$0x0], $0xffff;
	[tilespmem:s0+$0xFFFFFCD0] =	vst v6  }
0x153: {  	v7 =	vadd.s32 v2, v9;
	v6 =	vld.idx.msk [tilespmem:v17+s12+$0x0], $0xffff;
	[tilespmem:s0+$0xFFFFFC90] =	vst v19  }
0x154: {  	v17 =	vadd.s32 v3, v13;
	v24 =	vld.idx.msk [tilespmem:v24+s12+$0x0], $0xffff;
	[tilespmem:s0+$0xFFFFFCF0] =	vst v18  }
0x155: {  	v18 =	vld.idx.msk [tilespmem:v25+s12+$0x0], $0xffff;
	[tilespmem:s0+$0xFFFFFD80] =	vst v16;
	v16 =	vadd.s32 v3, v12  }
0x156: {  	v49 =	vadd.s32 v3, v10;
	v22 =	vld.idx.msk [tilespmem:v46+s12+$0x0], $0xffff;
	[tilespmem:s0+$0xFFFFFD20] =	vst v21  }
0x157: {  	s14 =	sor.u32 $0x1000, s3;
	v19 =	vld.idx.msk [tilespmem:v20+s12+$0x0], $0xffff;
	v20 =	vadd.s32 v3, v11;
	[tilespmem:s0+$0xFFFFFD30] =	vst v5  }
0x158: {  	v4 =	vmov s14;
	v48 =	vadd.s32 v3, v14;
	v7 =	vld.idx.msk [tilespmem:v7+s12+$0x0], $0xffff;
	[tilespmem:s0+$0xFFFFFD40] =	vst v6  }
0x159: {  	v47 =	vadd.s32 v4, v15;
	v17 =	vld.idx.msk [tilespmem:v17+s12+$0x0], $0xffff;
	[tilespmem:s0+$0xFFFFFD50] =	vst v24  }
0x15a: {  	v26 =	vadd.s32 v3, v8;
	[tilespmem:s0+$0xFFFFFD60] =	vst v18;
	v6 =	vld.idx.msk [tilespmem:v16+s12+$0x0], $0xffff  }
0x15b: {  	v16 =	vadd.s32 v3, v9;
	[tilespmem:s0+$0xFFFFFD10] =	vst v22;
	v18 =	vld.idx.msk [tilespmem:v49+s12+$0x0], $0xffff  }
0x15c: {  	v20 =	vld.idx.msk [tilespmem:v20+s12+$0x0], $0xffff;
	[tilespmem:s0+$0xFFFFFE00] =	vst v19;
	v19 =	vadd.s32 v4, v13  }
0x15d: {  	v51 =	vadd.s32 v4, v12;
	v52 =	vld.idx.msk [tilespmem:v48+s12+$0x0], $0xffff  }
0x15e: {  	s14 =	sor.u32 $0x1400, s3;
	v54 =	vadd.s32 v4, v14;
	v50 =	vld.idx.msk [tilespmem:v47+s12+$0x0], $0xffff;
	[tilespmem:s0+$0xFFFFFD70] =	vst v7  }
0x15f: {  	v55 =	vadd.s32 v4, v11;
	v5 =	vmov s14;
	v7 =	vld.idx.msk [tilespmem:v26+s12+$0x0], $0xffff;
	[tilespmem:s0+$0xFFFFFDA0] =	vst v17  }
0x160: {  	v53 =	vadd.s32 v5, v15;
	v16 =	vld.idx.msk [tilespmem:v16+s12+$0x0], $0xffff;
	[tilespmem:s0+$0xFFFFFDB0] =	vst v6  }
0x161: {  	v17 =	vadd.s32 v4, v10;
	[tilespmem:s0+$0xFFFFFDD0] =	vst v18;
	v19 =	vld.idx.msk [tilespmem:v19+s12+$0x0], $0xffff  }
0x162: {  	v27 =	vadd.s32 v4, v8;
	v23 =	vld.idx.msk [tilespmem:v51+s12+$0x0], $0xffff;
	[tilespmem:s0+$0xFFFFFD90] =	vst v52  }
0x163: {  	v56 =	vadd.s32 v4, v9;
	[tilespmem:s0+$0xFFFFFDC0] =	vst v20;
	v20 =	vld.idx.msk [tilespmem:v54+s12+$0x0], $0xffff  }
0x164: {  	v57 =	vadd.s32 v5, v13;
	[tilespmem:s0+$0xFFFFFE80] =	vst v50;
	v18 =	vld.idx.msk [tilespmem:v55+s12+$0x0], $0xffff  }
0x165: {  	s14 =	sor.u32 $0x1800, s3;
	v28 =	vadd.s32 v5, v12;
	v21 =	vld.idx.msk [tilespmem:v53+s12+$0x0], $0xffff;
	[tilespmem:s0+$0xFFFFFDE0] =	vst v7  }
0x166: {  	v59 =	vadd.s32 v5, v14;
	v6 =	vmov s14;
	v17 =	vld.idx.msk [tilespmem:v17+s12+$0x0], $0xffff;
	[tilespmem:s0+$0xFFFFFDF0] =	vst v16  }
0x167: {  	v58 =	vadd.s32 v6, v15;
	v16 =	vld.idx.msk [tilespmem:v27+s12+$0x0], $0xffff;
	[tilespmem:s0+$0xFFFFFE20] =	vst v19  }
0x168: {  	v60 =	vadd.s32 v5, v11;
	v19 =	vld.idx.msk [tilespmem:v56+s12+$0x0], $0xffff;
	[tilespmem:s0+$0xFFFFFE30] =	vst v23  }
0x169: {  	v61 =	vadd.s32 v5, v10;
	v24 =	vld.idx.msk [tilespmem:v57+s12+$0x0], $0xffff;
	[tilespmem:s0+$0xFFFFFE10] =	vst v20  }
0x16a: {  	v62 =	vadd.s32 v5, v8;
	[tilespmem:s0+$0xFFFFFE40] =	vst v18;
	v18 =	vld.idx.msk [tilespmem:v28+s12+$0x0], $0xffff  }
0x16b: {  	v63 =	vadd.s32 v5, v9;
	[tilespmem:s0+$0xFFFFFF00] =	vst v21;
	v30 =	vld.idx.msk [tilespmem:v59+s12+$0x0], $0xffff  }
0x16c: {  	v32 =	vadd.s32 v6, v13;
	v20 =	vld.idx.msk [tilespmem:v58+s12+$0x0], $0xffff;
	[tilespmem:s0+$0xFFFFFE50] =	vst v17  }
0x16d: {  	s3 =	sor.u32 $0x1C00, s3;
	v31 =	vadd.s32 v6, v14;
	v17 =	vld.idx.msk [tilespmem:v60+s12+$0x0], $0xffff;
	[tilespmem:s0+$0xFFFFFE60] =	vst v16  }
0x16e: {  	v33 =	vadd.s32 v6, v12;
	v7 =	vmov s3;
	v16 =	vld.idx.msk [tilespmem:v61+s12+$0x0], $0xffff;
	[tilespmem:s0+$0xFFFFFE70] =	vst v19  }
0x16f: {  	v15 =	vadd.s32 v7, v15;
	v19 =	vld.idx.msk [tilespmem:v62+s12+$0x0], $0xffff;
	[tilespmem:s0+$0xFFFFFEA0] =	vst v24  }
0x170: {  	v34 =	vadd.s32 v6, v11;
	v25 =	vld.idx.msk [tilespmem:v63+s12+$0x0], $0xffff;
	[tilespmem:s0+$0xFFFFFEB0] =	vst v18  }
0x171: {  	v37 =	vadd.s32 v6, v9;
	[tilespmem:s0+$0xFFFFFE90] =	vst v30;
	v18 =	vld.idx.msk [tilespmem:v32+s12+$0x0], $0xffff  }
0x172: {  	[tilespmem:s0+$0xFFFFFF80] =	vst v20;
	v20 =	vadd.s32 v6, v10;
	v36 =	vld.idx.msk [tilespmem:v31+s12+$0x0], $0xffff  }
0x173: {  	v13 =	vadd.s32 v7, v13;
	[tilespmem:s0+$0xFFFFFEC0] =	vst v17;
	v17 =	vld.idx.msk [tilespmem:v33+s12+$0x0], $0xffff  }
0x174: {  	v35 =	vld.idx.msk [tilespmem:v15+s12+$0x0], $0xffff;
	[tilespmem:s0+$0xFFFFFED0] =	vst v16  }
0x175: {  	v16 =	vld.idx.msk [tilespmem:v34+s12+$0x0], $0xffff;
	[tilespmem:s0+$0xFFFFFEF0] =	vst v25  }
0x176: {  	v15 =	vadd.s32 v6, v8;
	[tilespmem:s0+$0xFFFFFEE0] =	vst v19;
	v38 =	vld.idx.msk [tilespmem:v37+s12+$0x0], $0xffff  }
0x177: {  	v14 =	vadd.s32 v7, v14;
	[tilespmem:s0+$0xFFFFFF20] =	vst v18;
	v19 =	vld.idx.msk [tilespmem:v20+s12+$0x0], $0xffff  }
0x178: {  	v12 =	vadd.s32 v7, v12;
	v18 =	vld.idx.msk [tilespmem:v13+s12+$0x0], $0xffff  }
0x179: {  	[tilespmem:s0+$0xFFFFFF30] =	vst v17;
	v17 =	vld [tilespmem:s30+$0x30]  }
0x17a: {  	v13 =	vld [tilespmem:s30+$0xFFFFFFF0]  }
0x17b: {  	[tilespmem:s0+$0xFFFFFF10] =	vst v36;
	v20 =	vld.idx.msk [tilespmem:v15+s12+$0x0], $0xffff  }
0x17c: {  	v39 =	vld.idx.msk [tilespmem:v14+s12+$0x0], $0xffff  }
0x17d: {  	v11 =	vadd.s32 v7, v11;
	v40 =	vld.idx.msk [tilespmem:v12+s12+$0x0], $0xffff  }
0x17e: {  	v15 =	vld [tilespmem:s30+$0xFFFFFFD0]  }
0x17f: {  	v10 =	vadd.s32 v7, v10;
	v14 =	vld [tilespmem:s30+$0xFFFFFFE0]  }
0x180: {  	v12 =	vld [tilespmem:s30+$0x0]  }
0x181: {  	v8 =	vadd.s32 v7, v8;
	[tilespmem:s0+$0xFFFFFF40] =	vst v16;
	v16 =	vld [tilespmem:s30+$0xFFFFFFC0]  }
0x182: {  	v42 =	vadd.s32 v7, v9;
	v41 =	vld.idx.msk [tilespmem:v11+s12+$0x0], $0xffff  }
0x183: {  	v11 =	vld [tilespmem:s30+$0x20];
	[tilespmem:s0+$0xFFFFFF50] =	vst v19;
	v43 =	vadd.s32 v0, v17  }
0x184: {  	v45 =	vadd.s32 v0, v13;
	v19 =	vld.idx.msk [tilespmem:v10+s12+$0x0], $0xffff  }
0x185: {  	v10 =	vld [tilespmem:s30+$0x10];
	v44 =	vadd.s32 v0, v15;
	[tilespmem:s0+$0xFFFFFF60] =	vst v20  }
0x186: {  	[tilespmem:s0+$0xFFFFFF70] =	vst v38;
	v20 =	vadd.s32 v0, v14;
	v9 =	vld.idx.msk [tilespmem:v8+s12+$0x0], $0xffff  }
0x187: {  	v29 =	vadd.s32 v0, v12;
	v8 =	vld.idx.msk [tilespmem:v42+s12+$0x0], $0xffff  }
0x188: {  	[tilespmem:s0+$0x0] =	vst v35;
	v50 =	vadd.s32 v0, v16;
	v47 =	vld.idx.msk [tilespmem:v43+s12+$0x0], $0xffff  }
0x189: {  	[tilespmem:s0+$0xFFFFFFA0] =	vst v18;
	v49 =	vadd.s32 v0, v11;
	v21 =	vld.idx.msk [tilespmem:v45+s12+$0x0], $0xffff  }
0x18a: {  	[tilespmem:s0+$0xFFFFFF90] =	vst v39;
	v46 =	vadd.s32 v0, v10;
	v48 =	vld.idx.msk [tilespmem:v44+s12+$0x0], $0xffff  }
0x18b: {  	[tilespmem:s0+$0xFFFFFFB0] =	vst v40;
	v18 =	vld.idx.msk [tilespmem:v20+s12+$0x0], $0xffff;
	v20 =	vadd.s32 v1, v17  }
0x18c: {  	v53 =	vadd.s32 v1, v13;
	[tilespmem:s0+$0xFFFFFFC0] =	vst v41;
	v52 =	vld.idx.msk [tilespmem:v29+s12+$0x0], $0xffff  }
0x18d: {  	s3 =	simm.s32 $0x57F0;
	v51 =	vadd.s32 v1, v15;
	[tilespmem:s0+$0xFFFFFFD0] =	vst v19;
	v24 =	vld.idx.msk [tilespmem:v50+s12+$0x0], $0xffff  }
0x18e: {  	v19 =	vadd.s32 v1, v14;
	v27 =	vld.idx.msk [tilespmem:v49+s12+$0x0], $0xffff;
	[tilespmem:s3+$0xFFFFFC80] =	vst v47  }
0x18f: {  	v54 =	vadd.s32 v1, v12;
	[tilespmem:s3+$0xFFFFFC40] =	vst v21;
	v23 =	vld.idx.msk [tilespmem:v46+s12+$0x0], $0xffff  }
0x190: {  	v57 =	vadd.s32 v1, v16;
	[tilespmem:s3+$0xFFFFFC20] =	vst v48;
	v20 =	vld.idx.msk [tilespmem:v20+s12+$0x0], $0xffff  }
0x191: {  	v55 =	vadd.s32 v1, v10;
	[tilespmem:s3+$0xFFFFFC30] =	vst v18;
	v29 =	vld.idx.msk [tilespmem:v53+s12+$0x0], $0xffff  }
0x192: {  	v56 =	vadd.s32 v2, v17;
	[tilespmem:s3+$0xFFFFFC50] =	vst v52;
	v18 =	vld.idx.msk [tilespmem:v51+s12+$0x0], $0xffff  }
0x193: {  	v58 =	vadd.s32 v1, v11;
	[tilespmem:s3+$0xFFFFFC10] =	vst v24;
	v19 =	vld.idx.msk [tilespmem:v19+s12+$0x0], $0xffff  }
0x194: {  	v59 =	vadd.s32 v2, v15;
	v26 =	vld.idx.msk [tilespmem:v54+s12+$0x0], $0xffff;
	[tilespmem:s3+$0xFFFFFC70] =	vst v27  }
0x195: {  	v60 =	vadd.s32 v2, v14;
	v25 =	vld.idx.msk [tilespmem:v57+s12+$0x0], $0xffff;
	[tilespmem:s3+$0xFFFFFC60] =	vst v23  }
0x196: {  	v61 =	vadd.s32 v2, v12;
	[tilespmem:s3+$0xFFFFFD00] =	vst v20;
	v22 =	vld.idx.msk [tilespmem:v55+s12+$0x0], $0xffff  }
0x197: {  	v62 =	vadd.s32 v2, v16;
	[tilespmem:s3+$0xFFFFFCC0] =	vst v29;
	v21 =	vld.idx.msk [tilespmem:v56+s12+$0x0], $0xffff  }
0x198: {  	v20 =	vadd.s32 v2, v13;
	[tilespmem:s3+$0xFFFFFCA0] =	vst v18;
	v18 =	vld.idx.msk [tilespmem:v58+s12+$0x0], $0xffff  }
0x199: {  	[tilespmem:s3+$0xFFFFFCB0] =	vst v19;
	v19 =	vadd.s32 v3, v17;
	v23 =	vld.idx.msk [tilespmem:v59+s12+$0x0], $0xffff  }
0x19a: {  	v63 =	vadd.s32 v2, v10;
	[tilespmem:s3+$0xFFFFFCD0] =	vst v26;
	v27 =	vld.idx.msk [tilespmem:v60+s12+$0x0], $0xffff  }
0x19b: {  	v32 =	vadd.s32 v2, v11;
	[tilespmem:s3+$0xFFFFFC90] =	vst v25;
	v24 =	vld.idx.msk [tilespmem:v61+s12+$0x0], $0xffff  }
0x19c: {  	v33 =	vadd.s32 v3, v15;
	v28 =	vld.idx.msk [tilespmem:v62+s12+$0x0], $0xffff;
	[tilespmem:s3+$0xFFFFFCE0] =	vst v22  }
0x19d: {  	v34 =	vadd.s32 v3, v14;
	v20 =	vld.idx.msk [tilespmem:v20+s12+$0x0], $0xffff;
	[tilespmem:s3+$0xFFFFFD80] =	vst v21  }
0x19e: {  	v37 =	vadd.s32 v3, v16;
	[tilespmem:s3+$0xFFFFFCF0] =	vst v18;
	v19 =	vld.idx.msk [tilespmem:v19+s12+$0x0], $0xffff  }
0x19f: {  	v35 =	vadd.s32 v3, v13;
	[tilespmem:s3+$0xFFFFFD20] =	vst v23;
	v18 =	vld.idx.msk [tilespmem:v63+s12+$0x0], $0xffff  }
0x1a0: {  	v38 =	vadd.s32 v3, v12;
	[tilespmem:s3+$0xFFFFFD30] =	vst v27;
	v26 =	vld.idx.msk [tilespmem:v32+s12+$0x0], $0xffff  }
0x1a1: {  	v36 =	vadd.s32 v4, v17;
	[tilespmem:s3+$0xFFFFFD50] =	vst v24;
	v22 =	vld.idx.msk [tilespmem:v33+s12+$0x0], $0xffff  }
0x1a2: {  	v39 =	vadd.s32 v3, v11;
	[tilespmem:s3+$0xFFFFFD10] =	vst v28;
	v21 =	vld.idx.msk [tilespmem:v34+s12+$0x0], $0xffff  }
0x1a3: {  	v40 =	vadd.s32 v4, v14;
	v29 =	vld.idx.msk [tilespmem:v37+s12+$0x0], $0xffff;
	[tilespmem:s3+$0xFFFFFD40] =	vst v20  }
0x1a4: {  	v42 =	vadd.s32 v4, v16;
	v25 =	vld.idx.msk [tilespmem:v35+s12+$0x0], $0xffff;
	[tilespmem:s3+$0xFFFFFE00] =	vst v19  }
0x1a5: {  	v20 =	vadd.s32 v3, v10;
	[tilespmem:s3+$0xFFFFFD60] =	vst v18;
	v18 =	vld.idx.msk [tilespmem:v38+s12+$0x0], $0xffff  }
0x1a6: {  	v19 =	vadd.s32 v4, v15;
	[tilespmem:s3+$0xFFFFFD70] =	vst v26;
	v23 =	vld.idx.msk [tilespmem:v36+s12+$0x0], $0xffff  }
0x1a7: {  	v43 =	vadd.s32 v4, v13;
	[tilespmem:s3+$0xFFFFFDB0] =	vst v21;
	v44 =	vld.idx.msk [tilespmem:v39+s12+$0x0], $0xffff  }
0x1a8: {  	v45 =	vadd.s32 v4, v12;
	[tilespmem:s3+$0xFFFFFD90] =	vst v29;
	v28 =	vld.idx.msk [tilespmem:v40+s12+$0x0], $0xffff  }
0x1a9: {  	v41 =	vadd.s32 v5, v17;
	[tilespmem:s3+$0xFFFFFDA0] =	vst v22;
	v27 =	vld.idx.msk [tilespmem:v42+s12+$0x0], $0xffff  }
0x1aa: {  	v47 =	vadd.s32 v4, v11;
	v20 =	vld.idx.msk [tilespmem:v20+s12+$0x0], $0xffff;
	[tilespmem:s3+$0xFFFFFDC0] =	vst v25  }
0x1ab: {  	v49 =	vadd.s32 v5, v16;
	v19 =	vld.idx.msk [tilespmem:v19+s12+$0x0], $0xffff;
	[tilespmem:s3+$0xFFFFFDD0] =	vst v18  }
0x1ac: {  	v46 =	vadd.s32 v4, v10;
	v18 =	vld.idx.msk [tilespmem:v43+s12+$0x0], $0xffff;
	[tilespmem:s3+$0xFFFFFE80] =	vst v23  }
0x1ad: {  	v50 =	vadd.s32 v5, v14;
	v24 =	vld.idx.msk [tilespmem:v45+s12+$0x0], $0xffff;
	[tilespmem:s3+$0xFFFFFDF0] =	vst v44  }
0x1ae: {  	v48 =	vadd.s32 v5, v15;
	v26 =	vld.idx.msk [tilespmem:v41+s12+$0x0], $0xffff;
	[tilespmem:s3+$0xFFFFFE30] =	vst v28  }
0x1af: {  	v51 =	vadd.s32 v5, v13;
	v23 =	vld.idx.msk [tilespmem:v47+s12+$0x0], $0xffff;
	[tilespmem:s3+$0xFFFFFE10] =	vst v27  }
0x1b0: {  	[tilespmem:s3+$0xFFFFFDE0] =	vst v20;
	v20 =	vadd.s32 v6, v17;
	v22 =	vld.idx.msk [tilespmem:v49+s12+$0x0], $0xffff  }
0x1b1: {  	v52 =	vadd.s32 v5, v12;
	[tilespmem:s3+$0xFFFFFE20] =	vst v19;
	v19 =	vld.idx.msk [tilespmem:v46+s12+$0x0], $0xffff  }
0x1b2: {  	v54 =	vadd.s32 v5, v11;
	[tilespmem:s3+$0xFFFFFE40] =	vst v18;
	v18 =	vld.idx.msk [tilespmem:v50+s12+$0x0], $0xffff  }
0x1b3: {  	v55 =	vadd.s32 v6, v16;
	v29 =	vld.idx.msk [tilespmem:v48+s12+$0x0], $0xffff;
	[tilespmem:s3+$0xFFFFFE50] =	vst v24  }
0x1b4: {  	v53 =	vadd.s32 v5, v10;
	v56 =	vld.idx.msk [tilespmem:v51+s12+$0x0], $0xffff;
	[tilespmem:s3+$0xFFFFFF00] =	vst v26  }
0x1b5: {  	v58 =	vadd.s32 v6, v14;
	[tilespmem:s3+$0xFFFFFE70] =	vst v23;
	v20 =	vld.idx.msk [tilespmem:v20+s12+$0x0], $0xffff  }
0x1b6: {  	v17 =	vadd.s32 v7, v17;
	v57 =	vld.idx.msk [tilespmem:v52+s12+$0x0], $0xffff;
	[tilespmem:s3+$0xFFFFFE90] =	vst v22  }
0x1b7: {  	v59 =	vadd.s32 v6, v13;
	v27 =	vld.idx.msk [tilespmem:v54+s12+$0x0], $0xffff;
	[tilespmem:s3+$0xFFFFFE60] =	vst v19  }
0x1b8: {  	v21 =	vld.idx.msk [tilespmem:v55+s12+$0x0], $0xffff;
	v19 =	vadd.s32 v6, v15;
	[tilespmem:s3+$0xFFFFFEB0] =	vst v18  }
0x1b9: {  	v18 =	vadd.s32 v6, v11;
	[tilespmem:s3+$0xFFFFFEA0] =	vst v29;
	v26 =	vld.idx.msk [tilespmem:v53+s12+$0x0], $0xffff  }
0x1ba: {  	v23 =	vld.idx.msk [tilespmem:v58+s12+$0x0], $0xffff;
	[tilespmem:s3+$0xFFFFFF80] =	vst v20;
	v20 =	vadd.s32 v6, v12  }
0x1bb: {  	v60 =	vadd.s32 v6, v10;
	[tilespmem:s3+$0xFFFFFEC0] =	vst v56;
	v17 =	vld.idx.msk [tilespmem:v17+s12+$0x0], $0xffff  }
0x1bc: {  	v61 =	vadd.s32 v7, v16;
	[tilespmem:s3+$0xFFFFFED0] =	vst v57;
	v62 =	vld.idx.msk [tilespmem:v59+s12+$0x0], $0xffff  }
0x1bd: {  	v63 =	vadd.s32 v7, v14;
	[tilespmem:s3+$0xFFFFFEF0] =	vst v27;
	v19 =	vld.idx.msk [tilespmem:v19+s12+$0x0], $0xffff  }
0x1be: {  	v15 =	vadd.s32 v7, v15;
	[tilespmem:s3+$0xFFFFFF10] =	vst v21;
	v16 =	vld.idx.msk [tilespmem:v18+s12+$0x0], $0xffff  }
0x1bf: {  	v13 =	vadd.s32 v7, v13;
	[tilespmem:s3+$0xFFFFFEE0] =	vst v26;
	v20 =	vld.idx.msk [tilespmem:v20+s12+$0x0], $0xffff  }
0x1c0: {  	v22 =	vld.idx.msk [tilespmem:v60+s12+$0x0], $0xffff;
	[tilespmem:s3+$0x0] =	vst v17;
	v17 =	vadd.s32 v7, v12  }
0x1c1: {  	v14 =	vld.idx.msk [tilespmem:v61+s12+$0x0], $0xffff;
	[tilespmem:s3+$0xFFFFFF30] =	vst v23  }
0x1c2: {  	v18 =	vld.idx.msk [tilespmem:v63+s12+$0x0], $0xffff;
	[tilespmem:s3+$0xFFFFFF20] =	vst v19  }
0x1c3: {  	[tilespmem:s3+$0xFFFFFF40] =	vst v62;
	v15 =	vld.idx.msk [tilespmem:v15+s12+$0x0], $0xffff  }
0x1c4: {  	v13 =	vld.idx.msk [tilespmem:v13+s12+$0x0], $0xffff;
	[tilespmem:s3+$0xFFFFFF50] =	vst v20  }
0x1c5: {  	s7 =	sadd.s32 $0x400, s30;
	s14 =	simm.s32 $0x8;
	v11 =	vadd.s32 v7, v11;
	v12 =	vadd.s32 v7, v10;
	[tilespmem:s3+$0xFFFFFF60] =	vst v22;
	v17 =	vld.idx.msk [tilespmem:v17+s12+$0x0], $0xffff  }
.LBB2_10:
0x1c6: {  	v10 =	vld [tilespmem:s7+$0x30];
	s14 =	sadd.s32 $0x8, s14;
	[tilespmem:s3+$0xFFFFFF70] =	vst v16  }
0x1c7: {  	v21 =	vld [tilespmem:s7+$0xFFFFFFD0];
	p1 =	slt.u32 s14, $0x18;
	[tilespmem:s3+$0xFFFFFF90] =	vst v14  }
0x1c8: {  	v25 =	vld [tilespmem:s7+$0xFFFFFFE0];
	[tilespmem:s3+$0xFFFFFFA0] =	vst v15  }
0x1c9: {  	v26 =	vld [tilespmem:s7+$0xFFFFFFF0];
	[tilespmem:s3+$0xFFFFFFB0] =	vst v18  }
0x1ca: {  	v27 =	vld [tilespmem:s7+$0x0];
	[tilespmem:s3+$0xFFFFFFC0] =	vst v13  }
0x1cb: {  	v28 =	vld [tilespmem:s7+$0x10];
	v13 =	vadd.s32 v0, v10;
	[tilespmem:s3+$0xFFFFFFD0] =	vst v17  }
0x1cc: {  	v14 =	vadd.s32 v0, v21;
	v15 =	vadd.s32 v1, v21;
	v17 =	vadd.s32 v2, v21;
	v29 =	vld [tilespmem:s7+$0x20];
	[tilespmem:s0+$0xFFFFFFE0] =	vst v9  }
0x1cd: {  	v20 =	vld [tilespmem:s7+$0xFFFFFFC0];
	v16 =	vadd.s32 v0, v25;
	v18 =	vadd.s32 v1, v25;
	v30 =	vadd.s32 v2, v25;
	[tilespmem:s0+$0xFFFFFFF0] =	vst v8;
	s0 =	smov.u32 s3  }
0x1ce: {  	v19 =	vadd.s32 v0, v26;
	v22 =	vadd.s32 v1, v26;
	v31 =	vadd.s32 v2, v26;
	v9 =	vld.idx.msk [tilespmem:v12+s12+$0x0], $0xffff  }
0x1cf: {  	v12 =	vadd.s32 v0, v27;
	v23 =	vadd.s32 v1, v27;
	v32 =	vadd.s32 v2, v27;
	v8 =	vld.idx.msk [tilespmem:v11+s12+$0x0], $0xffff  }
0x1d0: {  	v11 =	vadd.s32 v0, v28;
	v24 =	vadd.s32 v1, v28;
	v33 =	vadd.s32 v2, v28;
	v13 =	vld.idx.msk [tilespmem:v13+s12+$0x0], $0xffff  }
0x1d1: {  	v14 =	vld.idx.msk [tilespmem:v14+s12+$0x0], $0xffff;
	v34 =	vadd.s32 v0, v29;
	v35 =	vadd.s32 v1, v29;
	v36 =	vadd.s32 v2, v29  }
0x1d2: {  	v39 =	vadd.s32 v1, v10;
	v37 =	vadd.s32 v0, v20;
	v38 =	vadd.s32 v1, v20;
	v16 =	vld.idx.msk [tilespmem:v16+s12+$0x0], $0xffff  }
0x1d3: {  	v42 =	vadd.s32 v3, v21;
	v40 =	vadd.s32 v2, v20;
	v41 =	vadd.s32 v3, v20;
	v19 =	vld.idx.msk [tilespmem:v19+s12+$0x0], $0xffff  }
0x1d4: {  	v43 =	vadd.s32 v3, v25;
	v44 =	vadd.s32 v3, v26;
	v45 =	vadd.s32 v3, v27;
	v12 =	vld.idx.msk [tilespmem:v12+s12+$0x0], $0xffff  }
0x1d5: {  	s3 =	sadd.s32 $0x400, s3;
	v47 =	vadd.s32 v3, v28;
	v48 =	vadd.s32 v3, v29;
	v46 =	vadd.s32 v4, v20;
	v11 =	vld.idx.msk [tilespmem:v11+s12+$0x0], $0xffff  }
0x1d6: {  	v49 =	vadd.s32 v4, v21;
	v50 =	vadd.s32 v4, v25;
	v34 =	vld.idx.msk [tilespmem:v34+s12+$0x0], $0xffff;
	[tilespmem:s3+$0xFFFFFC80] =	vst v13  }
0x1d7: {  	v51 =	vadd.s32 v4, v26;
	v52 =	vadd.s32 v4, v27;
	[tilespmem:s3+$0xFFFFFC20] =	vst v14;
	v13 =	vld.idx.msk [tilespmem:v39+s12+$0x0], $0xffff  }
0x1d8: {  	v53 =	vadd.s32 v4, v29;
	v39 =	vadd.s32 v4, v28;
	v37 =	vld.idx.msk [tilespmem:v37+s12+$0x0], $0xffff;
	[tilespmem:s3+$0xFFFFFC30] =	vst v16  }
0x1d9: {  	v54 =	vadd.s32 v5, v20;
	v15 =	vld.idx.msk [tilespmem:v15+s12+$0x0], $0xffff;
	[tilespmem:s3+$0xFFFFFC40] =	vst v19;
	v19 =	vadd.s32 v2, v10  }
0x1da: {  	v55 =	vadd.s32 v5, v21;
	v57 =	vadd.s32 v5, v25;
	v56 =	vld.idx.msk [tilespmem:v18+s12+$0x0], $0xffff;
	[tilespmem:s3+$0xFFFFFC50] =	vst v12  }
0x1db: {  	v58 =	vadd.s32 v5, v26;
	v59 =	vadd.s32 v5, v27;
	v12 =	vld.idx.msk [tilespmem:v22+s12+$0x0], $0xffff;
	[tilespmem:s3+$0xFFFFFC60] =	vst v11  }
0x1dc: {  	v60 =	vadd.s32 v5, v28;
	v11 =	vld.idx.msk [tilespmem:v23+s12+$0x0], $0xffff;
	[tilespmem:s3+$0xFFFFFC70] =	vst v34;
	v34 =	vadd.s32 v5, v29  }
0x1dd: {  	v14 =	vadd.s32 v6, v21;
	v22 =	vadd.s32 v6, v20;
	v61 =	vld.idx.msk [tilespmem:v24+s12+$0x0], $0xffff;
	[tilespmem:s3+$0xFFFFFD00] =	vst v13  }
0x1de: {  	v16 =	vadd.s32 v6, v26;
	v23 =	vadd.s32 v6, v25;
	[tilespmem:s3+$0xFFFFFC10] =	vst v37;
	v37 =	vld.idx.msk [tilespmem:v19+s12+$0x0], $0xffff  }
0x1df: {  	v18 =	vadd.s32 v6, v28;
	v24 =	vadd.s32 v6, v27;
	v38 =	vld.idx.msk [tilespmem:v38+s12+$0x0], $0xffff;
	[tilespmem:s3+$0xFFFFFCA0] =	vst v15  }
0x1e0: {  	v19 =	vadd.s32 v6, v29;
	[tilespmem:s3+$0xFFFFFCB0] =	vst v56;
	v35 =	vld.idx.msk [tilespmem:v35+s12+$0x0], $0xffff;
	v56 =	vadd.s32 v3, v10  }
0x1e1: {  	v20 =	vadd.s32 v7, v20;
	v15 =	vadd.s32 v7, v21;
	v62 =	vld.idx.msk [tilespmem:v17+s12+$0x0], $0xffff;
	[tilespmem:s3+$0xFFFFFCC0] =	vst v12  }
0x1e2: {  	v13 =	vadd.s32 v7, v26;
	v21 =	vadd.s32 v7, v25;
	v30 =	vld.idx.msk [tilespmem:v30+s12+$0x0], $0xffff;
	[tilespmem:s3+$0xFFFFFCD0] =	vst v11  }
0x1e3: {  	v17 =	vadd.s32 v7, v27;
	v12 =	vadd.s32 v7, v28;
	v25 =	vld.idx.msk [tilespmem:v31+s12+$0x0], $0xffff;
	[tilespmem:s3+$0xFFFFFCE0] =	vst v61  }
0x1e4: {  	v11 =	vadd.s32 v7, v29;
	v26 =	vld.idx.msk [tilespmem:v32+s12+$0x0], $0xffff;
	[tilespmem:s3+$0xFFFFFD80] =	vst v37  }
0x1e5: {  	[tilespmem:s3+$0xFFFFFC90] =	vst v38;
	v27 =	vld.idx.msk [tilespmem:v56+s12+$0x0], $0xffff  }
0x1e6: {  	v28 =	vld.idx.msk [tilespmem:v40+s12+$0x0], $0xffff;
	[tilespmem:s3+$0xFFFFFCF0] =	vst v35  }
0x1e7: {  	v31 =	vadd.s32 v4, v10;
	[tilespmem:s3+$0xFFFFFD20] =	vst v62;
	v29 =	vld.idx.msk [tilespmem:v33+s12+$0x0], $0xffff  }
0x1e8: {  	[tilespmem:s3+$0xFFFFFD30] =	vst v30;
	v30 =	vld.idx.msk [tilespmem:v36+s12+$0x0], $0xffff  }
0x1e9: {  	v32 =	vld.idx.msk [tilespmem:v42+s12+$0x0], $0xffff;
	[tilespmem:s3+$0xFFFFFD40] =	vst v25  }
0x1ea: {  	v25 =	vld.idx.msk [tilespmem:v43+s12+$0x0], $0xffff;
	[tilespmem:s3+$0xFFFFFD50] =	vst v26  }
0x1eb: {  	v26 =	vld.idx.msk [tilespmem:v44+s12+$0x0], $0xffff;
	[tilespmem:s3+$0xFFFFFE00] =	vst v27  }
0x1ec: {  	[tilespmem:s3+$0xFFFFFD10] =	vst v28;
	v27 =	vld.idx.msk [tilespmem:v31+s12+$0x0], $0xffff  }
0x1ed: {  	v28 =	vld.idx.msk [tilespmem:v41+s12+$0x0], $0xffff;
	[tilespmem:s3+$0xFFFFFD60] =	vst v29  }
0x1ee: {  	v29 =	vld.idx.msk [tilespmem:v45+s12+$0x0], $0xffff;
	[tilespmem:s3+$0xFFFFFD70] =	vst v30;
	v30 =	vadd.s32 v5, v10  }
0x1ef: {  	[tilespmem:s3+$0xFFFFFDA0] =	vst v32;
	v31 =	vld.idx.msk [tilespmem:v47+s12+$0x0], $0xffff  }
0x1f0: {  	[tilespmem:s3+$0xFFFFFDB0] =	vst v25;
	v25 =	vld.idx.msk [tilespmem:v48+s12+$0x0], $0xffff  }
0x1f1: {  	v32 =	vld.idx.msk [tilespmem:v49+s12+$0x0], $0xffff;
	[tilespmem:s3+$0xFFFFFDC0] =	vst v26  }
0x1f2: {  	v26 =	vld.idx.msk [tilespmem:v50+s12+$0x0], $0xffff;
	[tilespmem:s3+$0xFFFFFE80] =	vst v27  }
0x1f3: {  	[tilespmem:s3+$0xFFFFFD90] =	vst v28;
	v27 =	vld.idx.msk [tilespmem:v30+s12+$0x0], $0xffff  }
0x1f4: {  	v28 =	vld.idx.msk [tilespmem:v46+s12+$0x0], $0xffff;
	[tilespmem:s3+$0xFFFFFDD0] =	vst v29  }
0x1f5: {  	v30 =	vadd.s32 v6, v10;
	v29 =	vld.idx.msk [tilespmem:v51+s12+$0x0], $0xffff;
	[tilespmem:s3+$0xFFFFFDE0] =	vst v31  }
0x1f6: {  	v31 =	vld.idx.msk [tilespmem:v52+s12+$0x0], $0xffff;
	[tilespmem:s3+$0xFFFFFDF0] =	vst v25  }
0x1f7: {  	[tilespmem:s3+$0xFFFFFE20] =	vst v32;
	v25 =	vld.idx.msk [tilespmem:v39+s12+$0x0], $0xffff  }
0x1f8: {  	[tilespmem:s3+$0xFFFFFE30] =	vst v26;
	v26 =	vld.idx.msk [tilespmem:v53+s12+$0x0], $0xffff  }
0x1f9: {  	v32 =	vld.idx.msk [tilespmem:v55+s12+$0x0], $0xffff;
	[tilespmem:s3+$0xFFFFFF00] =	vst v27  }
0x1fa: {  	[tilespmem:s3+$0xFFFFFE10] =	vst v28;
	v27 =	vld.idx.msk [tilespmem:v30+s12+$0x0], $0xffff  }
0x1fb: {  	v28 =	vld.idx.msk [tilespmem:v54+s12+$0x0], $0xffff;
	[tilespmem:s3+$0xFFFFFE40] =	vst v29  }
0x1fc: {  	v10 =	vadd.s32 v7, v10;
	v29 =	vld.idx.msk [tilespmem:v57+s12+$0x0], $0xffff;
	[tilespmem:s3+$0xFFFFFE50] =	vst v31  }
0x1fd: {  	v30 =	vld.idx.msk [tilespmem:v58+s12+$0x0], $0xffff;
	[tilespmem:s3+$0xFFFFFE60] =	vst v25  }
0x1fe: {  	v25 =	vld.idx.msk [tilespmem:v59+s12+$0x0], $0xffff;
	[tilespmem:s3+$0xFFFFFE70] =	vst v26  }
0x1ff: {  	[tilespmem:s3+$0xFFFFFEA0] =	vst v32;
	v26 =	vld.idx.msk [tilespmem:v60+s12+$0x0], $0xffff  }
0x200: {  	v31 =	vld.idx.msk [tilespmem:v34+s12+$0x0], $0xffff;
	[tilespmem:s3+$0xFFFFFF80] =	vst v27  }
0x201: {  	[tilespmem:s3+$0xFFFFFE90] =	vst v28;
	v10 =	vld.idx.msk [tilespmem:v10+s12+$0x0], $0xffff  }
0x202: {  	v22 =	vld.idx.msk [tilespmem:v22+s12+$0x0], $0xffff;
	[tilespmem:s3+$0xFFFFFEB0] =	vst v29  }
0x203: {  	v27 =	vld.idx.msk [tilespmem:v14+s12+$0x0], $0xffff;
	[tilespmem:s3+$0xFFFFFEC0] =	vst v30  }
0x204: {  	v23 =	vld.idx.msk [tilespmem:v23+s12+$0x0], $0xffff;
	[tilespmem:s3+$0xFFFFFED0] =	vst v25  }
0x205: {  	v25 =	vld.idx.msk [tilespmem:v16+s12+$0x0], $0xffff;
	[tilespmem:s3+$0xFFFFFEE0] =	vst v26  }
0x206: {  	v24 =	vld.idx.msk [tilespmem:v24+s12+$0x0], $0xffff;
	[tilespmem:s3+$0xFFFFFEF0] =	vst v31  }
0x207: {  	v26 =	vld.idx.msk [tilespmem:v18+s12+$0x0], $0xffff;
	[tilespmem:s3+$0x0] =	vst v10  }
0x208: {  	[tilespmem:s3+$0xFFFFFF10] =	vst v22;
	v16 =	vld.idx.msk [tilespmem:v19+s12+$0x0], $0xffff  }
.Ltmp2:
0x209: {  	v14 =	vld.idx.msk [tilespmem:v20+s12+$0x0], $0xffff;
	[tilespmem:s3+$0xFFFFFF20] =	vst v27;
	(pc) =	sbr.rel @p1 .LBB2_10-.Ltmp2, $4  }
0x20a: {  	v15 =	vld.idx.msk [tilespmem:v15+s12+$0x0], $0xffff;
	[tilespmem:s3+$0xFFFFFF30] =	vst v23  }
0x20b: {  	v18 =	vld.idx.msk [tilespmem:v21+s12+$0x0], $0xffff;
	[tilespmem:s3+$0xFFFFFF40] =	vst v25  }
0x20c: {  	v13 =	vld.idx.msk [tilespmem:v13+s12+$0x0], $0xffff;
	[tilespmem:s3+$0xFFFFFF50] =	vst v24  }
0x20d: {  	s7 =	sadd.s32 $0x400, s7;
	v17 =	vld.idx.msk [tilespmem:v17+s12+$0x0], $0xffff;
	[tilespmem:s3+$0xFFFFFF60] =	vst v26  }
0x20e: {  	_ = 	snop  }
0x20f: {  	[tilespmem:s3+$0xFFFFFF70] =	vst v16  }
0x210: {  	[tilespmem:s3+$0xFFFFFF90] =	vst v14  }
0x211: {  	[tilespmem:s0+$0xFFFFFFE0] =	vst v9  }
0x212: {  	v0 =	vld.idx.msk [tilespmem:v12+s12+$0x0], $0xffff;
	[tilespmem:s0+$0xFFFFFFF0] =	vst v8  }
0x213: {  	s29 =	sadd.s32 $0x1, s29;
	[tilespmem:s3+$0xFFFFFFA0] =	vst v15;
	v1 =	vld.idx.msk [tilespmem:v11+s12+$0x0], $0xffff  }
0x214: {  	p1 =	sne.s32 s29, $0x4;
	[tilespmem:s3+$0xFFFFFFB0] =	vst v18  }
.Ltmp3:
0x215: {  	s7 =	sshll.u32 s31, $0x11;
	[tilespmem:s3+$0xFFFFFFC0] =	vst v13;
	(pc) =	sbr.rel @p1 .LBB2_7-.Ltmp3, $4  }
0x216: {  	s31 =	sadd.s32 s28, s7;
	[tilespmem:s3+$0xFFFFFFD0] =	vst v17  }
0x217: {  	s0 =	sshrl.u32 s31, $0x3;
	[tilespmem:s3+$0xFFFFFFE0] =	vst v0  }
0x218: {  	s0 =	sadd.s32 s4, s0;
	[tilespmem:s3+$0xFFFFFFF0] =	vst v1  }
0x219: {  	[hbm4b:s0+s5] =	stream.linear.scatter [tilespmem:s17], [sflag:$0x3], $0x1000, $0x38;
	[tilespmem:$0x16000] =	vst v63  }
0x21a: {  	s24 =	sadd.s32 $0x1, s24  }
0x21b: {  	p1 =	seq.s32 s24, $0x8  }
.Ltmp4:
0x21c: {  	_ = 	snop;
	(pc) =	sbr.rel @!p1 .LBB2_6-.Ltmp4, $2  }
0x21d: {  	_ =	sdelay $0x2  }
0x21e: {  	s22 =	sadd.s32 $0x80, s22  }
0x21f: {  	p1 =	seq.s32 s21, $0x19  }
.Ltmp5:
0x220: {  	_ = 	snop;
	(pc) =	sbr.rel @!p1 .LBB2_3-.Ltmp5, $2  }
0x221: {  	_ =	sdelay $0x2  }
0x222: {  	p0 =	por !p0, !p0  }
0x223: {  	s20 =	sadd.s32 $0x1, s20  }
0x224: {  	_ =	swait.ge [sflag:s18], $0x1000;
	p0 =	sne.s32 s20, s11  }
.Ltmp6:
0x225: {  	[sflag:s18] =	ssyncset.done $0x0;
	(pc) =	sbr.rel @p0 .LBB2_1-.Ltmp6, $4  }
0x226: {  	[sflag:s18] =	ssyncadd.s32 $0xFFFFF000  }
0x227: {  	_ =	swait.ge [sflag:s19], $0x1000  }
0x228: {  	[sflag:s19] =	ssyncset.done $0x0  }
0x229: {  	[sflag:s19] =	ssyncadd.s32 $0xFFFFF000  }
0x22a: {  	_ =	sfence.sel $0x180000  }
0x22b: {  	[bflag:$0x0] =	sbarrier.arrive $0xFFFF  }
0x22c: {  	_ =	strace $0x90000047  }
0x22d: {  	s0 =	stileid.u32;
	[bflag:$0x2] =	sbarrier.arrive $0xFFFF  }
0x22e: {  	p0 =	sne.s32 s0, $0x0;
	s0 =	rddreg [dreg:$0x4]  }
0x22f: {  	s0 =	sadd.s32 @!p0 $0x100000, s0  }
0x230: {  	[sflag:s0] =	ssyncadd.tile.s32 @!p0 $0x1;
	_ =	shalt  }
.Lfunc_end2:
_tile_overlayer_lowered:
.L_overlay_start_2:
0x231: {  	(tag) =	ssettag $0x2  }
0x232: {  	s0 =	rddreg [dreg:$0x0];
	s2 =	stileid.u32  }
0x233: {  	s1 =	rddreg [dreg:$0x1];
	p0 =	sne.s32 s2, $0x0  }
0x234: {  	s3 =	rddreg [dreg:$0x2];
	[bflag:$0x3] =	sbarrier.arrive $0xFFFF;
	s2 =	simm.s32 @!p0 $0x1C04  }
0x235: {  	[timem:s3], [sflag:s2] =	dma.local @!p0 [hbm:s0], s1  }
0x236: {  	s0 =	simm.s32 @!p0 $0x4  }
0x237: {  	_ =	swait.ge @!p0 [sflag:s0], s1  }
0x238: {  	s1 =	ssub.s32 @!p0 $0x0, s1;
	[sflag:s0] =	ssyncset.done @!p0 $0x0  }
0x239: {  	[sflag:s0] =	ssyncadd.s32 @!p0 s1  }
0x23a: {  	[bflag:$0x3] =	sbarrier.arrive $0xFFFF  }
0x23b: {  	_ =	shalt  }

</sc_bundles>
